<compile_context>
chip_gen: v7x
topology: tpu7x:2x2x1
jax: 0.10.2.dev20260603
libtpu: 0.0.44.dev20260713+nightly
codegen_flags: <defaults>
</compile_context>

<pallas_src>
import functools

import jax
import jax.numpy as jnp
from jax import lax
from jax.experimental import pallas as pl
from jax.experimental.pallas import tpu as pltpu
from jax.experimental.pallas import tpu_sc as plsc

N = 100000
E = 1600000
NC, NS = 2, 16
NW = NC * NS
EPW = E // NW
CH = 80
NCHUNK = EPW // CH
SLICE = 6272
N2 = NS * SLICE
ZROWS = SLICE // 8
BN = 2000

_mesh = plsc.VectorSubcoreMesh(
    core_axis_name="c", subcore_axis_name="s", num_cores=NC, num_subcores=NS
)


@functools.partial(
    pl.kernel,
    out_type=jax.ShapeDtypeStruct((NC, N2), jnp.float32),
    mesh=_mesh,
    scratch_types=[
        pltpu.VMEM_SHARED((N2,), jnp.float32),
        pltpu.VMEM((CH,), jnp.int32),
        pltpu.VMEM((CH,), jnp.float32),
        pltpu.VMEM((SLICE,), jnp.float32),
    ],
)
def _sc_deg(dst_hbm, out_hbm, hist_sh, idx_v, ones_v, zbuf_v):
    cid = lax.axis_index("c")
    sid = lax.axis_index("s")
    wid = cid * NS + sid

    def fill_z(i, _):
        zbuf_v[pl.ds(i * 16, 16)] = jnp.zeros((16,), jnp.float32)
        return 0

    lax.fori_loop(0, SLICE // 16, fill_z, 0)

    def fill_o(i, _):
        ones_v[pl.ds(i * 16, 16)] = jnp.ones((16,), jnp.float32)
        return 0

    lax.fori_loop(0, CH // 16, fill_o, 0)
    pltpu.sync_copy(zbuf_v, hist_sh.at[pl.ds(sid * SLICE, SLICE)])
    plsc.subcore_barrier()

    def step(c, _):
        base = pl.multiple_of(wid * EPW + c * CH, 8)
        pltpu.sync_copy(dst_hbm.at[pl.ds(base, CH)], idx_v)
        pltpu.sync_copy(ones_v, hist_sh.at[idx_v], add=True)
        return 0

    lax.fori_loop(0, NCHUNK, step, 0)
    plsc.subcore_barrier()
    pltpu.sync_copy(
        hist_sh.at[pl.ds(sid * SLICE, SLICE)],
        out_hbm.at[cid, pl.ds(sid * SLICE, SLICE)],
    )


@functools.partial(
    pl.kernel,
    out_type=jax.ShapeDtypeStruct((NC, N2, 16), jnp.float32),
    mesh=_mesh,
    scratch_types=[
        pltpu.VMEM_SHARED((N2, 16), jnp.float32),
        pltpu.VMEM((CH,), jnp.int32),
        pltpu.VMEM((CH,), jnp.int32),
        pltpu.VMEM((CH, 16), jnp.float32),
        pltpu.VMEM((ZROWS, 16), jnp.float32),
        pltpu.SemaphoreType.DMA,
    ],
    compiler_params=pltpu.CompilerParams(use_tc_tiling_on_sc=False),
)
def _sc_agg(g_hbm, src_hbm, dst_hbm, out_hbm, acc_sh, src_v, dst_v, rows_v,
            zbuf_v, sem):
    cid = lax.axis_index("c")
    sid = lax.axis_index("s")
    wid = cid * NS + sid

    def fz(i, _):
        zbuf_v[i, :] = jnp.zeros((16,), jnp.float32)
        return 0

    lax.fori_loop(0, ZROWS, fz, 0)

    def zc(j, _):
        pltpu.sync_copy(
            zbuf_v, acc_sh.at[pl.ds(sid * SLICE + j * ZROWS, ZROWS), :]
        )
        return 0

    lax.fori_loop(0, SLICE // ZROWS, zc, 0)
    plsc.subcore_barrier()

    def step(c, _):
        base = pl.multiple_of(wid * EPW + c * CH, 8)
        pltpu.sync_copy(src_hbm.at[pl.ds(base, CH)], src_v)
        pltpu.sync_copy(dst_hbm.at[pl.ds(base, CH)], dst_v)
        pltpu.async_copy(g_hbm.at[src_v], rows_v, sem).wait()
        pltpu.sync_copy(rows_v, acc_sh.at[dst_v], add=True)
        return 0

    lax.fori_loop(0, NCHUNK, step, 0)
    plsc.subcore_barrier()
    pltpu.sync_copy(
        acc_sh.at[pl.ds(sid * SLICE, SLICE), :],
        out_hbm.at[cid, pl.ds(sid * SLICE, SLICE), :],
    )


def _tcA_body(x_ref, w_ref, degp_ref, g1_ref, dinv_ref):
    deg = degp_ref[:, 0] + degp_ref[:, 1] + 1.0
    dinv = lax.rsqrt(deg)[:, None]
    h = jnp.dot(x_ref[...], w_ref[...], preferred_element_type=jnp.float32)
    g1_ref[...] = h * dinv
    dinv_ref[...] = dinv


def _tc_A(x, W1, degp):
    return pl.pallas_call(
        _tcA_body,
        grid=(N // BN,),
        in_specs=[
            pl.BlockSpec((BN, 132), lambda i: (i, 0)),
            pl.BlockSpec((132, 16), lambda i: (0, 0)),
            pl.BlockSpec((BN, NC), lambda i: (i, 0)),
        ],
        out_specs=[
            pl.BlockSpec((BN, 16), lambda i: (i, 0)),
            pl.BlockSpec((BN, 1), lambda i: (i, 0)),
        ],
        out_shape=[
            jax.ShapeDtypeStruct((N, 16), jnp.float32),
            jax.ShapeDtypeStruct((N, 1), jnp.float32),
        ],
    )(x, W1, degp)


def _tcB_body(acc_ref, g1_ref, dinv_ref, w2p_ref, b1_ref, g2_ref):
    dinv = dinv_ref[...]
    t = (acc_ref[0] + acc_ref[1] + g1_ref[...]) * dinv + b1_ref[...]
    t = jnp.maximum(t, 0.0)
    h2 = jnp.dot(t, w2p_ref[...], preferred_element_type=jnp.float32)
    g2_ref[...] = h2 * dinv


def _tc_B(acc1, g1, dinv, w2p, b1r):
    return pl.pallas_call(
        _tcB_body,
        grid=(N // BN,),
        in_specs=[
            pl.BlockSpec((NC, BN, 16), lambda i: (0, i, 0)),
            pl.BlockSpec((BN, 16), lambda i: (i, 0)),
            pl.BlockSpec((BN, 1), lambda i: (i, 0)),
            pl.BlockSpec((16, 16), lambda i: (0, 0)),
            pl.BlockSpec((1, 16), lambda i: (0, 0)),
        ],
        out_specs=pl.BlockSpec((BN, 16), lambda i: (i, 0)),
        out_shape=jax.ShapeDtypeStruct((N, 16), jnp.float32),
    )(acc1, g1, dinv, w2p, b1r)


def _tcC_body(acc_ref, g2_ref, dinv_ref, b2_ref, out_ref):
    z16 = (acc_ref[0] + acc_ref[1] + g2_ref[...]) * dinv_ref[...]
    z = z16[:, :10] + b2_ref[...]
    m = jnp.max(z, axis=1, keepdims=True)
    zs = z - m
    out_ref[...] = zs - jnp.log(jnp.sum(jnp.exp(zs), axis=1, keepdims=True))


def _tc_C(acc2, g2, dinv, b2r):
    return pl.pallas_call(
        _tcC_body,
        grid=(N // BN,),
        in_specs=[
            pl.BlockSpec((NC, BN, 16), lambda i: (0, i, 0)),
            pl.BlockSpec((BN, 16), lambda i: (i, 0)),
            pl.BlockSpec((BN, 1), lambda i: (i, 0)),
            pl.BlockSpec((1, 10), lambda i: (0, 0)),
        ],
        out_specs=pl.BlockSpec((BN, 10), lambda i: (i, 0)),
        out_shape=jax.ShapeDtypeStruct((N, 10), jnp.float32),
    )(acc2, g2, dinv, b2r)


def kernel(x, edge_index, W1, b1, W2, b2):
    src = edge_index[0]
    dst = edge_index[1]
    degp = _sc_deg(dst)
    g1, dinv = _tc_A(x, W1, degp.T)
    acc1 = _sc_agg(g1, src, dst)
    w2p = jnp.zeros((16, 16), jnp.float32).at[:, :10].set(W2)
    g2 = _tc_B(acc1, g1, dinv, w2p, b1.reshape(1, 16))
    acc2 = _sc_agg(g2, src, dst)
    return _tc_C(acc2, g2, dinv, b2.reshape(1, 10))

# --- scband reference (transcript-rebuilt; emitter-appended) ---
"""Pipeline reference for scband-lcnet-73521250173346 (READ-ONLY COPY).

The authoritative reference and input builder live on the scoring server;
editing this copy changes nothing except your own understanding.
"""

import jax, jax.numpy as jnp
import numpy as np

N_NODES = 100000
N_EDGES = 1600000


def gcn_conv(x, edge_index, W, b):
    # Faithful PyG GCNConv: add self-loops, symmetric deg^{-1/2} normalization,
    # x' = D^{-1/2} (A + I) D^{-1/2} X W + b
    n = x.shape[0]
    loop = jnp.arange(n, dtype=edge_index.dtype)
    src = jnp.concatenate([edge_index[0], loop])
    dst = jnp.concatenate([edge_index[1], loop])
    deg = jax.ops.segment_sum(jnp.ones_like(dst, dtype=x.dtype), dst, num_segments=n)
    dinv = jnp.where(deg > 0, jax.lax.rsqrt(deg), 0.0)
    norm = dinv[src] * dinv[dst]
    h = x @ W
    msg = jnp.take(h, src, axis=0) * norm[:, None]
    out = jax.ops.segment_sum(msg, dst, num_segments=n)
    return out + b


def setup_inputs(seed: int = 0) -> dict:
    key = jax.random.key(seed)
    k1, k2, k3, k4, k5, k6 = jax.random.split(key, 6)
    x = jax.random.normal(k1, (N_NODES, 132), dtype=jnp.float32)
    edge_index = jax.random.randint(k2, (2, N_EDGES), 0, N_NODES, dtype=jnp.int32)
    W1 = jax.random.normal(k3, (132, 16), dtype=jnp.float32) * (1.0 / np.sqrt(132.0))
    b1 = jnp.zeros((16,), dtype=jnp.float32)
    W2 = jax.random.normal(k4, (16, 10), dtype=jnp.float32) * (1.0 / np.sqrt(16.0))
    b2 = jnp.zeros((10,), dtype=jnp.float32)
    return {"x": x, "edge_index": edge_index, "W1": W1, "b1": b1, "W2": W2, "b2": b2}


def reference(x, edge_index, W1, b1, W2, b2):
    h = gcn_conv(x, edge_index, W1, b1)
    h = jax.nn.relu(h)
    # F.dropout(training=self.training) in eval mode is identity
    h = gcn_conv(h, edge_index, W2, b2)
    return jax.nn.log_softmax(h, axis=1)

if __name__ == "__main__":
    import jax
    _d = setup_inputs()
    print(jax.jit(kernel)(*tuple(_d.values())))

</pallas_src>

<mosaic_0001>
#map = affine_map<(d0, d1) -> (0, 0)>
#map1 = affine_map<(d0, d1) -> (0)>
#map2 = affine_map<(d0, d1) -> (0, 0, 0)>
module attributes {stable_mosaic.version = 14 : i64} {
  func.func @_sc_agg(%arg0: i32, %arg1: i32, %arg2: memref<100000x16xf32, #tpu.memory_space<hbm>>, %arg3: memref<1600000xi32, #tpu.memory_space<hbm>>, %arg4: memref<1600000xi32, #tpu.memory_space<hbm>>, %arg5: memref<2x100352x16xf32, #tpu.memory_space<hbm>>, %arg6: memref<100352x16xf32, #tpu.memory_space<vmem_shared>>, %arg7: memref<80xi32, #tpu.memory_space<vmem>>, %arg8: memref<80xi32, #tpu.memory_space<vmem>>, %arg9: memref<80x16xf32, #tpu.memory_space<vmem>>, %arg10: memref<784x16xf32, #tpu.memory_space<vmem>>, %arg11: memref<!tpu.dma_semaphore, #tpu.memory_space<semaphore_mem>>) attributes {dimension_semantics = [#tpu.dimension_semantics<core_parallel>, #tpu.dimension_semantics<subcore_parallel>], iteration_bounds = array<i64: 2, 16>, scalar_prefetch = 0 : i64, scratch_operands = 6 : i64, tpu.core_type = #tpu.core_type<sc_vector_subcore>, window_params = [{transform_indices = #map}, {transform_indices = #map1}, {transform_indices = #map1}, {transform_indices = #map2}]} {
    %mul3A = arith.constant 16 : i32
    %mul3A_0 = arith.muli %arg0, %mul3A : i32
    %add3A = arith.addi %mul3A_0, %arg1 : i32
    %scan3A = arith.constant 0 : i32
    %scan3A_1 = arith.constant 0 : i32
    %scan3A_2 = arith.constant 784 : i32
    %scan3A_3 = arith.addi %scan3A_1, %scan3A_2 : i32
    %scan3A_4 = arith.constant 1 : i32
    %scan3A_5 = scf.for %scan3A_26 = %scan3A_1 to %scan3A_3 step %scan3A_4 iter_args(%scan3A_27 = %scan3A) -> (i32)  : i32 {
      %broadcast_in_dim3A = arith.constant 0.000000e+00 : f32
      %broadcast_in_dim3A_28 = vector.broadcast %broadcast_in_dim3A : f32 to vector<16xf32>
      %swap3A = arith.index_cast %scan3A_26 : i32 to index
      %swap3A_29 = arith.constant 0 : index
      %swap3A_30 = tpu.vector_load %arg10[%swap3A, %swap3A_29] {strides = array<i32>} : memref<784x16xf32, #tpu.memory_space<vmem>>, vector<1x16xf32>,
      %swap3A_31 = vector.shape_cast %swap3A_30 : vector<1x16xf32> to vector<16xf32>
      %swap3A_32 = vector.shape_cast %broadcast_in_dim3A_28 : vector<16xf32> to vector<1x16xf32>
      tpu.vector_store %arg10[%swap3A, %swap3A_29], %swap3A_32 {strides = array<i32>} : memref<784x16xf32, #tpu.memory_space<vmem>>, vector<1x16xf32>,
      %scan3A_33 = arith.constant 0 : i32
      scf.yield %scan3A_33 : i32
    }
    %scan3A_6 = arith.constant 784 : i32
    %scan3A_7 = arith.constant 0 : i32
    %scan3A_8 = arith.constant 0 : i32
    %scan3A_9 = arith.constant 8 : i32
    %scan3A_10 = arith.addi %scan3A_8, %scan3A_9 : i32
    %scan3A_11 = arith.constant 1 : i32
    %scan3A_12 = scf.for %scan3A_26 = %scan3A_8 to %scan3A_10 step %scan3A_11 iter_args(%scan3A_27 = %scan3A_7) -> (i32)  : i32 {
      %mul3A_28 = arith.constant 6272 : i32
      %mul3A_29 = arith.muli %arg1, %mul3A_28 : i32
      %mul3A_30 = arith.constant 784 : i32
      %mul3A_31 = arith.muli %scan3A_26, %mul3A_30 : i32
      %add3A_32 = arith.addi %mul3A_29, %mul3A_31 : i32
      "tpu.region"() ({
        %run_scoped3A = tpu.sem_alloc : memref<!tpu.dma_semaphore, #tpu.memory_space<semaphore_mem>>
        %dma_start3A = arith.constant 0 : i32
        %dma_start3A_34 = tpu.memref_slice %arg6[%add3A_32, %dma_start3A] : memref<100352x16xf32, #tpu.memory_space<vmem_shared>> -> memref<784x16xf32, #tpu.memory_space<vmem_shared>>
        %dma_start3A_35 = arith.constant 0 : i32
        %dma_start3A_36 = tpu.memref_slice %arg6[%add3A_32, %dma_start3A_35] : memref<100352x16xf32, #tpu.memory_space<vmem_shared>> -> memref<784x16xf32, #tpu.memory_space<vmem_shared>>
        tpu.enqueue_dma source(%arg10 : memref<784x16xf32, #tpu.memory_space<vmem>>) target(%dma_start3A_36 : memref<784x16xf32, #tpu.memory_space<vmem_shared>>) target_semaphore(%run_scoped3A : memref<!tpu.dma_semaphore, #tpu.memory_space<semaphore_mem>>)
        %dma_wait3A = arith.constant 0 : i32
        %dma_wait3A_37 = tpu.memref_slice %arg6[%add3A_32, %dma_wait3A] : memref<100352x16xf32, #tpu.memory_space<vmem_shared>> -> memref<784x16xf32, #tpu.memory_space<vmem_shared>>
        %dma_wait3A_38 = arith.constant 0 : i32
        %dma_wait3A_39 = tpu.memref_slice %arg6[%add3A_32, %dma_wait3A_38] : memref<100352x16xf32, #tpu.memory_space<vmem_shared>> -> memref<784x16xf32, #tpu.memory_space<vmem_shared>>
        tpu.wait_dma2 semaphore(%run_scoped3A : memref<!tpu.dma_semaphore, #tpu.memory_space<semaphore_mem>>) src(%arg10 : memref<784x16xf32, #tpu.memory_space<vmem>>) dst(%dma_wait3A_39 : memref<784x16xf32, #tpu.memory_space<vmem_shared>>)
        tpu.yield
      }) : () -> ()
      %scan3A_33 = arith.constant 0 : i32
      scf.yield %scan3A_33 : i32
    }
    %scan3A_13 = arith.constant 8 : i32
    %barrier3A = arith.constant 0 : index
    tpu.barrier barrier_id(%barrier3A)
    %scan3A_14 = arith.constant 0 : i32
    %scan3A_15 = arith.constant 0 : i32
    %scan3A_16 = arith.constant 625 : i32
    %scan3A_17 = arith.addi %scan3A_15, %scan3A_16 : i32
    %scan3A_18 = arith.constant 1 : i32
    %scan3A_19 = scf.for %scan3A_26 = %scan3A_15 to %scan3A_17 step %scan3A_18 iter_args(%scan3A_27 = %scan3A_14) -> (i32)  : i32 {
      %mul3A_28 = arith.constant 50000 : i32
      %mul3A_29 = arith.muli %add3A, %mul3A_28 : i32
      %mul3A_30 = arith.constant 80 : i32
      %mul3A_31 = arith.muli %scan3A_26, %mul3A_30 : i32
      %add3A_32 = arith.addi %mul3A_29, %mul3A_31 : i32
      %multiple_of3A = tpu.assume_multiple %add3A_32, 8 : i32
      "tpu.region"() ({
        %run_scoped3A = tpu.sem_alloc : memref<!tpu.dma_semaphore, #tpu.memory_space<semaphore_mem>>
        %dma_start3A_38 = tpu.memref_slice %arg3[%multiple_of3A] : memref<1600000xi32, #tpu.memory_space<hbm>> -> memref<80xi32, #tpu.memory_space<hbm>>
        %dma_start3A_39 = tpu.memref_slice %arg3[%multiple_of3A] : memref<1600000xi32, #tpu.memory_space<hbm>> -> memref<80xi32, #tpu.memory_space<hbm>>
        tpu.enqueue_dma source(%dma_start3A_39 : memref<80xi32, #tpu.memory_space<hbm>>) target(%arg7 : memref<80xi32, #tpu.memory_space<vmem>>) target_semaphore(%run_scoped3A : memref<!tpu.dma_semaphore, #tpu.memory_space<semaphore_mem>>)
        %dma_wait3A_40 = tpu.memref_slice %arg3[%multiple_of3A] : memref<1600000xi32, #tpu.memory_space<hbm>> -> memref<80xi32, #tpu.memory_space<hbm>>
        %dma_wait3A_41 = tpu.memref_slice %arg3[%multiple_of3A] : memref<1600000xi32, #tpu.memory_space<hbm>> -> memref<80xi32, #tpu.memory_space<hbm>>
        tpu.wait_dma2 semaphore(%run_scoped3A : memref<!tpu.dma_semaphore, #tpu.memory_space<semaphore_mem>>) src(%dma_wait3A_41 : memref<80xi32, #tpu.memory_space<hbm>>) dst(%arg7 : memref<80xi32, #tpu.memory_space<vmem>>)
        tpu.yield
      }) : () -> ()
      "tpu.region"() ({
        %run_scoped3A = tpu.sem_alloc : memref<!tpu.dma_semaphore, #tpu.memory_space<semaphore_mem>>
        %dma_start3A_38 = tpu.memref_slice %arg4[%multiple_of3A] : memref<1600000xi32, #tpu.memory_space<hbm>> -> memref<80xi32, #tpu.memory_space<hbm>>
        %dma_start3A_39 = tpu.memref_slice %arg4[%multiple_of3A] : memref<1600000xi32, #tpu.memory_space<hbm>> -> memref<80xi32, #tpu.memory_space<hbm>>
        tpu.enqueue_dma source(%dma_start3A_39 : memref<80xi32, #tpu.memory_space<hbm>>) target(%arg8 : memref<80xi32, #tpu.memory_space<vmem>>) target_semaphore(%run_scoped3A : memref<!tpu.dma_semaphore, #tpu.memory_space<semaphore_mem>>)
        %dma_wait3A_40 = tpu.memref_slice %arg4[%multiple_of3A] : memref<1600000xi32, #tpu.memory_space<hbm>> -> memref<80xi32, #tpu.memory_space<hbm>>
        %dma_wait3A_41 = tpu.memref_slice %arg4[%multiple_of3A] : memref<1600000xi32, #tpu.memory_space<hbm>> -> memref<80xi32, #tpu.memory_space<hbm>>
        tpu.wait_dma2 semaphore(%run_scoped3A : memref<!tpu.dma_semaphore, #tpu.memory_space<semaphore_mem>>) src(%dma_wait3A_41 : memref<80xi32, #tpu.memory_space<hbm>>) dst(%arg8 : memref<80xi32, #tpu.memory_space<vmem>>)
        tpu.yield
      }) : () -> ()
      %dma_start3A = arith.constant 0 : i32
      %dma_start3A_33 = arith.constant 0 : i32
      %dma_start3A_34 = tpu.memref_slice %arg2[%dma_start3A, %dma_start3A_33] : memref<100000x16xf32, #tpu.memory_space<hbm>> -> memref<100000x16xf32, #tpu.memory_space<hbm>>
      tpu.enqueue_indirect_dma source(%dma_start3A_34 : memref<100000x16xf32, #tpu.memory_space<hbm>>) target(%arg9 : memref<80x16xf32, #tpu.memory_space<vmem>>) offsets(%arg7 : memref<80xi32, #tpu.memory_space<vmem>>) semaphore(%arg11 : memref<!tpu.dma_semaphore, #tpu.memory_space<semaphore_mem>>)
      %dma_wait3A = arith.constant 0 : i32
      %dma_wait3A_35 = arith.constant 0 : i32
      %dma_wait3A_36 = tpu.memref_slice %arg2[%dma_wait3A, %dma_wait3A_35] : memref<100000x16xf32, #tpu.memory_space<hbm>> -> memref<100000x16xf32, #tpu.memory_space<hbm>>
      tpu.wait_indirect_dma semaphore(%arg11 : memref<!tpu.dma_semaphore, #tpu.memory_space<semaphore_mem>>) src(%dma_wait3A_36 : memref<100000x16xf32, #tpu.memory_space<hbm>>) dst(%arg9 : memref<80x16xf32, #tpu.memory_space<vmem>>)
      "tpu.region"() ({
        %run_scoped3A = tpu.sem_alloc : memref<!tpu.dma_semaphore, #tpu.memory_space<semaphore_mem>>
        %dma_start3A_38 = arith.constant 0 : i32
        %dma_start3A_39 = arith.constant 0 : i32
        %dma_start3A_40 = tpu.memref_slice %arg6[%dma_start3A_38, %dma_start3A_39] : memref<100352x16xf32, #tpu.memory_space<vmem_shared>> -> memref<100352x16xf32, #tpu.memory_space<vmem_shared>>
        tpu.enqueue_indirect_dma source(%arg9 : memref<80x16xf32, #tpu.memory_space<vmem>>) target(%dma_start3A_40 : memref<100352x16xf32, #tpu.memory_space<vmem_shared>>) offsets(%arg8 : memref<80xi32, #tpu.memory_space<vmem>>) semaphore(%run_scoped3A : memref<!tpu.dma_semaphore, #tpu.memory_space<semaphore_mem>>) {add = true}
        %dma_wait3A_41 = arith.constant 0 : i32
        %dma_wait3A_42 = arith.constant 0 : i32
        %dma_wait3A_43 = tpu.memref_slice %arg6[%dma_wait3A_41, %dma_wait3A_42] : memref<100352x16xf32, #tpu.memory_space<vmem_shared>> -> memref<100352x16xf32, #tpu.memory_space<vmem_shared>>
        tpu.wait_indirect_dma semaphore(%run_scoped3A : memref<!tpu.dma_semaphore, #tpu.memory_space<semaphore_mem>>) src(%arg9 : memref<80x16xf32, #tpu.memory_space<vmem>>) dst(%dma_wait3A_43 : memref<100352x16xf32, #tpu.memory_space<vmem_shared>>)
        tpu.yield
      }) : () -> ()
      %scan3A_37 = arith.constant 0 : i32
      scf.yield %scan3A_37 : i32
    }
    %scan3A_20 = arith.constant 625 : i32
    %barrier3A_21 = arith.constant 0 : index
    tpu.barrier barrier_id(%barrier3A_21)
    %mul3A_22 = arith.constant 6272 : i32
    %mul3A_23 = arith.muli %arg1, %mul3A_22 : i32
    %mul3A_24 = arith.constant 6272 : i32
    %mul3A_25 = arith.muli %arg1, %mul3A_24 : i32
    "tpu.region"() ({
      %run_scoped3A = tpu.sem_alloc : memref<!tpu.dma_semaphore, #tpu.memory_space<semaphore_mem>>
      %dma_start3A = arith.constant 0 : i32
      %dma_start3A_26 = tpu.memref_slice %arg5[%arg0, %mul3A_25, %dma_start3A] : memref<2x100352x16xf32, #tpu.memory_space<hbm>> -> memref<1x6272x16xf32, #tpu.memory_space<hbm>>
      %dma_start3A_27 = tpu.memref_squeeze %dma_start3A_26 : memref<1x6272x16xf32, #tpu.memory_space<hbm>> -> memref<6272x16xf32, #tpu.memory_space<hbm>>
      %dma_start3A_28 = arith.constant 0 : i32
      %dma_start3A_29 = tpu.memref_slice %arg6[%mul3A_23, %dma_start3A_28] : memref<100352x16xf32, #tpu.memory_space<vmem_shared>> -> memref<6272x16xf32, #tpu.memory_space<vmem_shared>>
      tpu.enqueue_dma source(%dma_start3A_29 : memref<6272x16xf32, #tpu.memory_space<vmem_shared>>) target(%dma_start3A_27 : memref<6272x16xf32, #tpu.memory_space<hbm>>) target_semaphore(%run_scoped3A : memref<!tpu.dma_semaphore, #tpu.memory_space<semaphore_mem>>)
      %dma_wait3A = arith.constant 0 : i32
      %dma_wait3A_30 = tpu.memref_slice %arg5[%arg0, %mul3A_25, %dma_wait3A] : memref<2x100352x16xf32, #tpu.memory_space<hbm>> -> memref<1x6272x16xf32, #tpu.memory_space<hbm>>
      %dma_wait3A_31 = tpu.memref_squeeze %dma_wait3A_30 : memref<1x6272x16xf32, #tpu.memory_space<hbm>> -> memref<6272x16xf32, #tpu.memory_space<hbm>>
      %dma_wait3A_32 = arith.constant 0 : i32
      %dma_wait3A_33 = tpu.memref_slice %arg6[%mul3A_23, %dma_wait3A_32] : memref<100352x16xf32, #tpu.memory_space<vmem_shared>> -> memref<6272x16xf32, #tpu.memory_space<vmem_shared>>
      tpu.wait_dma2 semaphore(%run_scoped3A : memref<!tpu.dma_semaphore, #tpu.memory_space<semaphore_mem>>) src(%dma_wait3A_33 : memref<6272x16xf32, #tpu.memory_space<vmem_shared>>) dst(%dma_wait3A_31 : memref<6272x16xf32, #tpu.memory_space<hbm>>)
      tpu.yield
    }) : () -> ()
    return
  }
}

#map = affine_map<(d0, d1) -> (0, 0)>
#map1 = affine_map<(d0, d1) -> (0)>
#map2 = affine_map<(d0, d1) -> (0, 0, 0)>
module attributes {stable_mosaic.version = 14 : i64} {
  func.func @_sc_agg(%arg0: i32, %arg1: i32, %arg2: memref<100000x16xf32, #tpu.memory_space<hbm>>, %arg3: memref<1600000xi32, #tpu.memory_space<hbm>>, %arg4: memref<1600000xi32, #tpu.memory_space<hbm>>, %arg5: memref<2x100352x16xf32, #tpu.memory_space<hbm>>, %arg6: memref<100352x16xf32, #tpu.memory_space<vmem_shared>>, %arg7: memref<80xi32, #tpu.memory_space<vmem>>, %arg8: memref<80xi32, #tpu.memory_space<vmem>>, %arg9: memref<80x16xf32, #tpu.memory_space<vmem>>, %arg10: memref<784x16xf32, #tpu.memory_space<vmem>>, %arg11: memref<!tpu.dma_semaphore, #tpu.memory_space<semaphore_mem>>) attributes {dimension_semantics = [#tpu.dimension_semantics<core_parallel>, #tpu.dimension_semantics<subcore_parallel>], iteration_bounds = array<i64: 2, 16>, scalar_prefetch = 0 : i64, scratch_operands = 6 : i64, tpu.core_type = #tpu.core_type<sc_vector_subcore>, window_params = [{transform_indices = #map}, {transform_indices = #map1}, {transform_indices = #map1}, {transform_indices = #map2}]} {
    %mul3A = arith.constant 16 : i32
    %mul3A_0 = arith.muli %arg0, %mul3A : i32
    %add3A = arith.addi %mul3A_0, %arg1 : i32
    %scan3A = arith.constant 0 : i32
    %scan3A_1 = arith.constant 0 : i32
    %scan3A_2 = arith.constant 784 : i32
    %scan3A_3 = arith.addi %scan3A_1, %scan3A_2 : i32
    %scan3A_4 = arith.constant 1 : i32
    %scan3A_5 = scf.for %scan3A_26 = %scan3A_1 to %scan3A_3 step %scan3A_4 iter_args(%scan3A_27 = %scan3A) -> (i32)  : i32 {
      %broadcast_in_dim3A = arith.constant 0.000000e+00 : f32
      %broadcast_in_dim3A_28 = vector.broadcast %broadcast_in_dim3A : f32 to vector<16xf32>
      %swap3A = arith.index_cast %scan3A_26 : i32 to index
      %swap3A_29 = arith.constant 0 : index
      %swap3A_30 = tpu.vector_load %arg10[%swap3A, %swap3A_29] {strides = array<i32>} : memref<784x16xf32, #tpu.memory_space<vmem>>, vector<1x16xf32>,
      %swap3A_31 = vector.shape_cast %swap3A_30 : vector<1x16xf32> to vector<16xf32>
      %swap3A_32 = vector.shape_cast %broadcast_in_dim3A_28 : vector<16xf32> to vector<1x16xf32>
      tpu.vector_store %arg10[%swap3A, %swap3A_29], %swap3A_32 {strides = array<i32>} : memref<784x16xf32, #tpu.memory_space<vmem>>, vector<1x16xf32>,
      %scan3A_33 = arith.constant 0 : i32
      scf.yield %scan3A_33 : i32
    }
    %scan3A_6 = arith.constant 784 : i32
    %scan3A_7 = arith.constant 0 : i32
    %scan3A_8 = arith.constant 0 : i32
    %scan3A_9 = arith.constant 8 : i32
    %scan3A_10 = arith.addi %scan3A_8, %scan3A_9 : i32
    %scan3A_11 = arith.constant 1 : i32
    %scan3A_12 = scf.for %scan3A_26 = %scan3A_8 to %scan3A_10 step %scan3A_11 iter_args(%scan3A_27 = %scan3A_7) -> (i32)  : i32 {
      %mul3A_28 = arith.constant 6272 : i32
      %mul3A_29 = arith.muli %arg1, %mul3A_28 : i32
      %mul3A_30 = arith.constant 784 : i32
      %mul3A_31 = arith.muli %scan3A_26, %mul3A_30 : i32
      %add3A_32 = arith.addi %mul3A_29, %mul3A_31 : i32
      "tpu.region"() ({
        %run_scoped3A = tpu.sem_alloc : memref<!tpu.dma_semaphore, #tpu.memory_space<semaphore_mem>>
        %dma_start3A = arith.constant 0 : i32
        %dma_start3A_34 = tpu.memref_slice %arg6[%add3A_32, %dma_start3A] : memref<100352x16xf32, #tpu.memory_space<vmem_shared>> -> memref<784x16xf32, #tpu.memory_space<vmem_shared>>
        %dma_start3A_35 = arith.constant 0 : i32
        %dma_start3A_36 = tpu.memref_slice %arg6[%add3A_32, %dma_start3A_35] : memref<100352x16xf32, #tpu.memory_space<vmem_shared>> -> memref<784x16xf32, #tpu.memory_space<vmem_shared>>
        tpu.enqueue_dma source(%arg10 : memref<784x16xf32, #tpu.memory_space<vmem>>) target(%dma_start3A_36 : memref<784x16xf32, #tpu.memory_space<vmem_shared>>) target_semaphore(%run_scoped3A : memref<!tpu.dma_semaphore, #tpu.memory_space<semaphore_mem>>)
        %dma_wait3A = arith.constant 0 : i32
        %dma_wait3A_37 = tpu.memref_slice %arg6[%add3A_32, %dma_wait3A] : memref<100352x16xf32, #tpu.memory_space<vmem_shared>> -> memref<784x16xf32, #tpu.memory_space<vmem_shared>>
        %dma_wait3A_38 = arith.constant 0 : i32
        %dma_wait3A_39 = tpu.memref_slice %arg6[%add3A_32, %dma_wait3A_38] : memref<100352x16xf32, #tpu.memory_space<vmem_shared>> -> memref<784x16xf32, #tpu.memory_space<vmem_shared>>
        tpu.wait_dma2 semaphore(%run_scoped3A : memref<!tpu.dma_semaphore, #tpu.memory_space<semaphore_mem>>) src(%arg10 : memref<784x16xf32, #tpu.memory_space<vmem>>) dst(%dma_wait3A_39 : memref<784x16xf32, #tpu.memory_space<vmem_shared>>)
        tpu.yield
      }) : () -> ()
      %scan3A_33 = arith.constant 0 : i32
      scf.yield %scan3A_33 : i32
    }
    %scan3A_13 = arith.constant 8 : i32
    %barrier3A = arith.constant 0 : index
    tpu.barrier barrier_id(%barrier3A)
    %scan3A_14 = arith.constant 0 : i32
    %scan3A_15 = arith.constant 0 : i32
    %scan3A_16 = arith.constant 625 : i32
    %scan3A_17 = arith.addi %scan3A_15, %scan3A_16 : i32
    %scan3A_18 = arith.constant 1 : i32
    %scan3A_19 = scf.for %scan3A_26 = %scan3A_15 to %scan3A_17 step %scan3A_18 iter_args(%scan3A_27 = %scan3A_14) -> (i32)  : i32 {
      %mul3A_28 = arith.constant 50000 : i32
      %mul3A_29 = arith.muli %add3A, %mul3A_28 : i32
      %mul3A_30 = arith.constant 80 : i32
      %mul3A_31 = arith.muli %scan3A_26, %mul3A_30 : i32
      %add3A_32 = arith.addi %mul3A_29, %mul3A_31 : i32
      %multiple_of3A = tpu.assume_multiple %add3A_32, 8 : i32
      "tpu.region"() ({
        %run_scoped3A = tpu.sem_alloc : memref<!tpu.dma_semaphore, #tpu.memory_space<semaphore_mem>>
        %dma_start3A_38 = tpu.memref_slice %arg3[%multiple_of3A] : memref<1600000xi32, #tpu.memory_space<hbm>> -> memref<80xi32, #tpu.memory_space<hbm>>
        %dma_start3A_39 = tpu.memref_slice %arg3[%multiple_of3A] : memref<1600000xi32, #tpu.memory_space<hbm>> -> memref<80xi32, #tpu.memory_space<hbm>>
        tpu.enqueue_dma source(%dma_start3A_39 : memref<80xi32, #tpu.memory_space<hbm>>) target(%arg7 : memref<80xi32, #tpu.memory_space<vmem>>) target_semaphore(%run_scoped3A : memref<!tpu.dma_semaphore, #tpu.memory_space<semaphore_mem>>)
        %dma_wait3A_40 = tpu.memref_slice %arg3[%multiple_of3A] : memref<1600000xi32, #tpu.memory_space<hbm>> -> memref<80xi32, #tpu.memory_space<hbm>>
        %dma_wait3A_41 = tpu.memref_slice %arg3[%multiple_of3A] : memref<1600000xi32, #tpu.memory_space<hbm>> -> memref<80xi32, #tpu.memory_space<hbm>>
        tpu.wait_dma2 semaphore(%run_scoped3A : memref<!tpu.dma_semaphore, #tpu.memory_space<semaphore_mem>>) src(%dma_wait3A_41 : memref<80xi32, #tpu.memory_space<hbm>>) dst(%arg7 : memref<80xi32, #tpu.memory_space<vmem>>)
        tpu.yield
      }) : () -> ()
      "tpu.region"() ({
        %run_scoped3A = tpu.sem_alloc : memref<!tpu.dma_semaphore, #tpu.memory_space<semaphore_mem>>
        %dma_start3A_38 = tpu.memref_slice %arg4[%multiple_of3A] : memref<1600000xi32, #tpu.memory_space<hbm>> -> memref<80xi32, #tpu.memory_space<hbm>>
        %dma_start3A_39 = tpu.memref_slice %arg4[%multiple_of3A] : memref<1600000xi32, #tpu.memory_space<hbm>> -> memref<80xi32, #tpu.memory_space<hbm>>
        tpu.enqueue_dma source(%dma_start3A_39 : memref<80xi32, #tpu.memory_space<hbm>>) target(%arg8 : memref<80xi32, #tpu.memory_space<vmem>>) target_semaphore(%run_scoped3A : memref<!tpu.dma_semaphore, #tpu.memory_space<semaphore_mem>>)
        %dma_wait3A_40 = tpu.memref_slice %arg4[%multiple_of3A] : memref<1600000xi32, #tpu.memory_space<hbm>> -> memref<80xi32, #tpu.memory_space<hbm>>
        %dma_wait3A_41 = tpu.memref_slice %arg4[%multiple_of3A] : memref<1600000xi32, #tpu.memory_space<hbm>> -> memref<80xi32, #tpu.memory_space<hbm>>
        tpu.wait_dma2 semaphore(%run_scoped3A : memref<!tpu.dma_semaphore, #tpu.memory_space<semaphore_mem>>) src(%dma_wait3A_41 : memref<80xi32, #tpu.memory_space<hbm>>) dst(%arg8 : memref<80xi32, #tpu.memory_space<vmem>>)
        tpu.yield
      }) : () -> ()
      %dma_start3A = arith.constant 0 : i32
      %dma_start3A_33 = arith.constant 0 : i32
      %dma_start3A_34 = tpu.memref_slice %arg2[%dma_start3A, %dma_start3A_33] : memref<100000x16xf32, #tpu.memory_space<hbm>> -> memref<100000x16xf32, #tpu.memory_space<hbm>>
      tpu.enqueue_indirect_dma source(%dma_start3A_34 : memref<100000x16xf32, #tpu.memory_space<hbm>>) target(%arg9 : memref<80x16xf32, #tpu.memory_space<vmem>>) offsets(%arg7 : memref<80xi32, #tpu.memory_space<vmem>>) semaphore(%arg11 : memref<!tpu.dma_semaphore, #tpu.memory_space<semaphore_mem>>)
      %dma_wait3A = arith.constant 0 : i32
      %dma_wait3A_35 = arith.constant 0 : i32
      %dma_wait3A_36 = tpu.memref_slice %arg2[%dma_wait3A, %dma_wait3A_35] : memref<100000x16xf32, #tpu.memory_space<hbm>> -> memref<100000x16xf32, #tpu.memory_space<hbm>>
      tpu.wait_indirect_dma semaphore(%arg11 : memref<!tpu.dma_semaphore, #tpu.memory_space<semaphore_mem>>) src(%dma_wait3A_36 : memref<100000x16xf32, #tpu.memory_space<hbm>>) dst(%arg9 : memref<80x16xf32, #tpu.memory_space<vmem>>)
      "tpu.region"() ({
        %run_scoped3A = tpu.sem_alloc : memref<!tpu.dma_semaphore, #tpu.memory_space<semaphore_mem>>
        %dma_start3A_38 = arith.constant 0 : i32
        %dma_start3A_39 = arith.constant 0 : i32
        %dma_start3A_40 = tpu.memref_slice %arg6[%dma_start3A_38, %dma_start3A_39] : memref<100352x16xf32, #tpu.memory_space<vmem_shared>> -> memref<100352x16xf32, #tpu.memory_space<vmem_shared>>
        tpu.enqueue_indirect_dma source(%arg9 : memref<80x16xf32, #tpu.memory_space<vmem>>) target(%dma_start3A_40 : memref<100352x16xf32, #tpu.memory_space<vmem_shared>>) offsets(%arg8 : memref<80xi32, #tpu.memory_space<vmem>>) semaphore(%run_scoped3A : memref<!tpu.dma_semaphore, #tpu.memory_space<semaphore_mem>>) {add = true}
        %dma_wait3A_41 = arith.constant 0 : i32
        %dma_wait3A_42 = arith.constant 0 : i32
        %dma_wait3A_43 = tpu.memref_slice %arg6[%dma_wait3A_41, %dma_wait3A_42] : memref<100352x16xf32, #tpu.memory_space<vmem_shared>> -> memref<100352x16xf32, #tpu.memory_space<vmem_shared>>
        tpu.wait_indirect_dma semaphore(%run_scoped3A : memref<!tpu.dma_semaphore, #tpu.memory_space<semaphore_mem>>) src(%arg9 : memref<80x16xf32, #tpu.memory_space<vmem>>) dst(%dma_wait3A_43 : memref<100352x16xf32, #tpu.memory_space<vmem_shared>>)
        tpu.yield
      }) : () -> ()
      %scan3A_37 = arith.constant 0 : i32
      scf.yield %scan3A_37 : i32
    }
    %scan3A_20 = arith.constant 625 : i32
    %barrier3A_21 = arith.constant 0 : index
    tpu.barrier barrier_id(%barrier3A_21)
    %mul3A_22 = arith.constant 6272 : i32
    %mul3A_23 = arith.muli %arg1, %mul3A_22 : i32
    %mul3A_24 = arith.constant 6272 : i32
    %mul3A_25 = arith.muli %arg1, %mul3A_24 : i32
    "tpu.region"() ({
      %run_scoped3A = tpu.sem_alloc : memref<!tpu.dma_semaphore, #tpu.memory_space<semaphore_mem>>
      %dma_start3A = arith.constant 0 : i32
      %dma_start3A_26 = tpu.memref_slice %arg5[%arg0, %mul3A_25, %dma_start3A] : memref<2x100352x16xf32, #tpu.memory_space<hbm>> -> memref<1x6272x16xf32, #tpu.memory_space<hbm>>
      %dma_start3A_27 = tpu.memref_squeeze %dma_start3A_26 : memref<1x6272x16xf32, #tpu.memory_space<hbm>> -> memref<6272x16xf32, #tpu.memory_space<hbm>>
      %dma_start3A_28 = arith.constant 0 : i32
      %dma_start3A_29 = tpu.memref_slice %arg6[%mul3A_23, %dma_start3A_28] : memref<100352x16xf32, #tpu.memory_space<vmem_shared>> -> memref<6272x16xf32, #tpu.memory_space<vmem_shared>>
      tpu.enqueue_dma source(%dma_start3A_29 : memref<6272x16xf32, #tpu.memory_space<vmem_shared>>) target(%dma_start3A_27 : memref<6272x16xf32, #tpu.memory_space<hbm>>) target_semaphore(%run_scoped3A : memref<!tpu.dma_semaphore, #tpu.memory_space<semaphore_mem>>)
      %dma_wait3A = arith.constant 0 : i32
      %dma_wait3A_30 = tpu.memref_slice %arg5[%arg0, %mul3A_25, %dma_wait3A] : memref<2x100352x16xf32, #tpu.memory_space<hbm>> -> memref<1x6272x16xf32, #tpu.memory_space<hbm>>
      %dma_wait3A_31 = tpu.memref_squeeze %dma_wait3A_30 : memref<1x6272x16xf32, #tpu.memory_space<hbm>> -> memref<6272x16xf32, #tpu.memory_space<hbm>>
      %dma_wait3A_32 = arith.constant 0 : i32
      %dma_wait3A_33 = tpu.memref_slice %arg6[%mul3A_23, %dma_wait3A_32] : memref<100352x16xf32, #tpu.memory_space<vmem_shared>> -> memref<6272x16xf32, #tpu.memory_space<vmem_shared>>
      tpu.wait_dma2 semaphore(%run_scoped3A : memref<!tpu.dma_semaphore, #tpu.memory_space<semaphore_mem>>) src(%dma_wait3A_33 : memref<6272x16xf32, #tpu.memory_space<vmem_shared>>) dst(%dma_wait3A_31 : memref<6272x16xf32, #tpu.memory_space<hbm>>)
      tpu.yield
    }) : () -> ()
    return
  }
}

#map = affine_map<(d0, d1) -> (0)>
#map1 = affine_map<(d0, d1) -> (0, 0)>
module attributes {stable_mosaic.version = 14 : i64} {
  func.func @_sc_deg(%arg0: i32, %arg1: i32, %arg2: memref<1600000xi32, #tpu.memory_space<hbm>>, %arg3: memref<2x100352xf32, #tpu.memory_space<hbm>>, %arg4: memref<100352xf32, #tpu.memory_space<vmem_shared>>, %arg5: memref<80xi32, #tpu.memory_space<vmem>>, %arg6: memref<80xf32, #tpu.memory_space<vmem>>, %arg7: memref<6272xf32, #tpu.memory_space<vmem>>) attributes {dimension_semantics = [#tpu.dimension_semantics<core_parallel>, #tpu.dimension_semantics<subcore_parallel>], iteration_bounds = array<i64: 2, 16>, scalar_prefetch = 0 : i64, scratch_operands = 4 : i64, tpu.core_type = #tpu.core_type<sc_vector_subcore>, window_params = [{transform_indices = #map}, {transform_indices = #map1}]} {
    %mul3A = arith.constant 16 : i32
    %mul3A_0 = arith.muli %arg0, %mul3A : i32
    %add3A = arith.addi %mul3A_0, %arg1 : i32
    %scan3A = arith.constant 0 : i32
    %scan3A_1 = arith.constant 0 : i32
    %scan3A_2 = arith.constant 392 : i32
    %scan3A_3 = arith.addi %scan3A_1, %scan3A_2 : i32
    %scan3A_4 = arith.constant 1 : i32
    %scan3A_5 = scf.for %scan3A_28 = %scan3A_1 to %scan3A_3 step %scan3A_4 iter_args(%scan3A_29 = %scan3A) -> (i32)  : i32 {
      %broadcast_in_dim3A = arith.constant 0.000000e+00 : f32
      %broadcast_in_dim3A_30 = vector.broadcast %broadcast_in_dim3A : f32 to vector<16xf32>
      %mul3A_31 = arith.constant 16 : i32
      %mul3A_32 = arith.muli %scan3A_28, %mul3A_31 : i32
      %swap3A = arith.index_cast %mul3A_32 : i32 to index
      %swap3A_33 = tpu.vector_load %arg7[%swap3A] {strides = array<i32>} : memref<6272xf32, #tpu.memory_space<vmem>>, vector<16xf32>,
      %swap3A_34 = vector.shape_cast %swap3A_33 : vector<16xf32> to vector<16xf32>
      %swap3A_35 = vector.shape_cast %broadcast_in_dim3A_30 : vector<16xf32> to vector<16xf32>
      tpu.vector_store %arg7[%swap3A], %swap3A_35 {strides = array<i32>} : memref<6272xf32, #tpu.memory_space<vmem>>, vector<16xf32>,
      %scan3A_36 = arith.constant 0 : i32
      scf.yield %scan3A_36 : i32
    }
    %scan3A_6 = arith.constant 392 : i32
    %scan3A_7 = arith.constant 0 : i32
    %scan3A_8 = arith.constant 0 : i32
    %scan3A_9 = arith.constant 5 : i32
    %scan3A_10 = arith.addi %scan3A_8, %scan3A_9 : i32
    %scan3A_11 = arith.constant 1 : i32
    %scan3A_12 = scf.for %scan3A_28 = %scan3A_8 to %scan3A_10 step %scan3A_11 iter_args(%scan3A_29 = %scan3A_7) -> (i32)  : i32 {
      %broadcast_in_dim3A = arith.constant 1.000000e+00 : f32
      %broadcast_in_dim3A_30 = vector.broadcast %broadcast_in_dim3A : f32 to vector<16xf32>
      %mul3A_31 = arith.constant 16 : i32
      %mul3A_32 = arith.muli %scan3A_28, %mul3A_31 : i32
      %swap3A = arith.index_cast %mul3A_32 : i32 to index
      %swap3A_33 = tpu.vector_load %arg6[%swap3A] {strides = array<i32>} : memref<80xf32, #tpu.memory_space<vmem>>, vector<16xf32>,
      %swap3A_34 = vector.shape_cast %swap3A_33 : vector<16xf32> to vector<16xf32>
      %swap3A_35 = vector.shape_cast %broadcast_in_dim3A_30 : vector<16xf32> to vector<16xf32>
      tpu.vector_store %arg6[%swap3A], %swap3A_35 {strides = array<i32>} : memref<80xf32, #tpu.memory_space<vmem>>, vector<16xf32>,
      %scan3A_36 = arith.constant 0 : i32
      scf.yield %scan3A_36 : i32
    }
    %scan3A_13 = arith.constant 5 : i32
    %mul3A_14 = arith.constant 6272 : i32
    %mul3A_15 = arith.muli %arg1, %mul3A_14 : i32
    "tpu.region"() ({
      %run_scoped3A = tpu.sem_alloc : memref<!tpu.dma_semaphore, #tpu.memory_space<semaphore_mem>>
      %dma_start3A = tpu.memref_slice %arg4[%mul3A_15] : memref<100352xf32, #tpu.memory_space<vmem_shared>> -> memref<6272xf32, #tpu.memory_space<vmem_shared>>
      %dma_start3A_28 = tpu.memref_slice %arg4[%mul3A_15] : memref<100352xf32, #tpu.memory_space<vmem_shared>> -> memref<6272xf32, #tpu.memory_space<vmem_shared>>
      tpu.enqueue_dma source(%arg7 : memref<6272xf32, #tpu.memory_space<vmem>>) target(%dma_start3A_28 : memref<6272xf32, #tpu.memory_space<vmem_shared>>) target_semaphore(%run_scoped3A : memref<!tpu.dma_semaphore, #tpu.memory_space<semaphore_mem>>)
      %dma_wait3A = tpu.memref_slice %arg4[%mul3A_15] : memref<100352xf32, #tpu.memory_space<vmem_shared>> -> memref<6272xf32, #tpu.memory_space<vmem_shared>>
      %dma_wait3A_29 = tpu.memref_slice %arg4[%mul3A_15] : memref<100352xf32, #tpu.memory_space<vmem_shared>> -> memref<6272xf32, #tpu.memory_space<vmem_shared>>
      tpu.wait_dma2 semaphore(%run_scoped3A : memref<!tpu.dma_semaphore, #tpu.memory_space<semaphore_mem>>) src(%arg7 : memref<6272xf32, #tpu.memory_space<vmem>>) dst(%dma_wait3A_29 : memref<6272xf32, #tpu.memory_space<vmem_shared>>)
      tpu.yield
    }) : () -> ()
    %barrier3A = arith.constant 0 : index
    tpu.barrier barrier_id(%barrier3A)
    %scan3A_16 = arith.constant 0 : i32
    %scan3A_17 = arith.constant 0 : i32
    %scan3A_18 = arith.constant 625 : i32
    %scan3A_19 = arith.addi %scan3A_17, %scan3A_18 : i32
    %scan3A_20 = arith.constant 1 : i32
    %scan3A_21 = scf.for %scan3A_28 = %scan3A_17 to %scan3A_19 step %scan3A_20 iter_args(%scan3A_29 = %scan3A_16) -> (i32)  : i32 {
      %mul3A_30 = arith.constant 50000 : i32
      %mul3A_31 = arith.muli %add3A, %mul3A_30 : i32
      %mul3A_32 = arith.constant 80 : i32
      %mul3A_33 = arith.muli %scan3A_28, %mul3A_32 : i32
      %add3A_34 = arith.addi %mul3A_31, %mul3A_33 : i32
      %multiple_of3A = tpu.assume_multiple %add3A_34, 8 : i32
      "tpu.region"() ({
        %run_scoped3A = tpu.sem_alloc : memref<!tpu.dma_semaphore, #tpu.memory_space<semaphore_mem>>
        %dma_start3A = tpu.memref_slice %arg2[%multiple_of3A] : memref<1600000xi32, #tpu.memory_space<hbm>> -> memref<80xi32, #tpu.memory_space<hbm>>
        %dma_start3A_36 = tpu.memref_slice %arg2[%multiple_of3A] : memref<1600000xi32, #tpu.memory_space<hbm>> -> memref<80xi32, #tpu.memory_space<hbm>>
        tpu.enqueue_dma source(%dma_start3A_36 : memref<80xi32, #tpu.memory_space<hbm>>) target(%arg5 : memref<80xi32, #tpu.memory_space<vmem>>) target_semaphore(%run_scoped3A : memref<!tpu.dma_semaphore, #tpu.memory_space<semaphore_mem>>)
        %dma_wait3A = tpu.memref_slice %arg2[%multiple_of3A] : memref<1600000xi32, #tpu.memory_space<hbm>> -> memref<80xi32, #tpu.memory_space<hbm>>
        %dma_wait3A_37 = tpu.memref_slice %arg2[%multiple_of3A] : memref<1600000xi32, #tpu.memory_space<hbm>> -> memref<80xi32, #tpu.memory_space<hbm>>
        tpu.wait_dma2 semaphore(%run_scoped3A : memref<!tpu.dma_semaphore, #tpu.memory_space<semaphore_mem>>) src(%dma_wait3A_37 : memref<80xi32, #tpu.memory_space<hbm>>) dst(%arg5 : memref<80xi32, #tpu.memory_space<vmem>>)
        tpu.yield
      }) : () -> ()
      "tpu.region"() ({
        %run_scoped3A = tpu.sem_alloc : memref<!tpu.dma_semaphore, #tpu.memory_space<semaphore_mem>>
        %dma_start3A = arith.constant 0 : i32
        %dma_start3A_36 = tpu.memref_slice %arg4[%dma_start3A] : memref<100352xf32, #tpu.memory_space<vmem_shared>> -> memref<100352xf32, #tpu.memory_space<vmem_shared>>
        tpu.enqueue_indirect_dma source(%arg6 : memref<80xf32, #tpu.memory_space<vmem>>) target(%dma_start3A_36 : memref<100352xf32, #tpu.memory_space<vmem_shared>>) offsets(%arg5 : memref<80xi32, #tpu.memory_space<vmem>>) semaphore(%run_scoped3A : memref<!tpu.dma_semaphore, #tpu.memory_space<semaphore_mem>>) {add = true}
        %dma_wait3A = arith.constant 0 : i32
        %dma_wait3A_37 = tpu.memref_slice %arg4[%dma_wait3A] : memref<100352xf32, #tpu.memory_space<vmem_shared>> -> memref<100352xf32, #tpu.memory_space<vmem_shared>>
        tpu.wait_indirect_dma semaphore(%run_scoped3A : memref<!tpu.dma_semaphore, #tpu.memory_space<semaphore_mem>>) src(%arg6 : memref<80xf32, #tpu.memory_space<vmem>>) dst(%dma_wait3A_37 : memref<100352xf32, #tpu.memory_space<vmem_shared>>)
        tpu.yield
      }) : () -> ()
      %scan3A_35 = arith.constant 0 : i32
      scf.yield %scan3A_35 : i32
    }
    %scan3A_22 = arith.constant 625 : i32
    %barrier3A_23 = arith.constant 0 : index
    tpu.barrier barrier_id(%barrier3A_23)
    %mul3A_24 = arith.constant 6272 : i32
    %mul3A_25 = arith.muli %arg1, %mul3A_24 : i32
    %mul3A_26 = arith.constant 6272 : i32
    %mul3A_27 = arith.muli %arg1, %mul3A_26 : i32
    "tpu.region"() ({
      %run_scoped3A = tpu.sem_alloc : memref<!tpu.dma_semaphore, #tpu.memory_space<semaphore_mem>>
      %dma_start3A = tpu.memref_slice %arg3[%arg0, %mul3A_27] : memref<2x100352xf32, #tpu.memory_space<hbm>> -> memref<1x6272xf32, #tpu.memory_space<hbm>>
      %dma_start3A_28 = tpu.memref_squeeze %dma_start3A : memref<1x6272xf32, #tpu.memory_space<hbm>> -> memref<6272xf32, #tpu.memory_space<hbm>>
      %dma_start3A_29 = tpu.memref_slice %arg4[%mul3A_25] : memref<100352xf32, #tpu.memory_space<vmem_shared>> -> memref<6272xf32, #tpu.memory_space<vmem_shared>>
      tpu.enqueue_dma source(%dma_start3A_29 : memref<6272xf32, #tpu.memory_space<vmem_shared>>) target(%dma_start3A_28 : memref<6272xf32, #tpu.memory_space<hbm>>) target_semaphore(%run_scoped3A : memref<!tpu.dma_semaphore, #tpu.memory_space<semaphore_mem>>)
      %dma_wait3A = tpu.memref_slice %arg3[%arg0, %mul3A_27] : memref<2x100352xf32, #tpu.memory_space<hbm>> -> memref<1x6272xf32, #tpu.memory_space<hbm>>
      %dma_wait3A_30 = tpu.memref_squeeze %dma_wait3A : memref<1x6272xf32, #tpu.memory_space<hbm>> -> memref<6272xf32, #tpu.memory_space<hbm>>
      %dma_wait3A_31 = tpu.memref_slice %arg4[%mul3A_25] : memref<100352xf32, #tpu.memory_space<vmem_shared>> -> memref<6272xf32, #tpu.memory_space<vmem_shared>>
      tpu.wait_dma2 semaphore(%run_scoped3A : memref<!tpu.dma_semaphore, #tpu.memory_space<semaphore_mem>>) src(%dma_wait3A_31 : memref<6272xf32, #tpu.memory_space<vmem_shared>>) dst(%dma_wait3A_30 : memref<6272xf32, #tpu.memory_space<hbm>>)
      tpu.yield
    }) : () -> ()
    return
  }
}

module attributes {stable_mosaic.version = 14 : i64} {
  func.func @_tcA_body(%arg0: i32, %arg1: memref<2000x132xf32, #tpu.memory_space<vmem>>, %arg2: memref<132x16xf32, #tpu.memory_space<vmem>>, %arg3: memref<2000x2xf32, #tpu.memory_space<vmem>>, %arg4: memref<2000x16xf32, #tpu.memory_space<vmem>>, %arg5: memref<2000x1xf32, #tpu.memory_space<vmem>>) attributes {dimension_semantics = [#tpu.dimension_semantics<arbitrary>], iteration_bounds = array<i64: 50>, scalar_prefetch = 0 : i64, scratch_operands = 0 : i64, tpu.core_type = #tpu.core_type<tc>, window_params = [{transform_indices = @transform_0, window_bounds = array<i64: 2000, 132>}, {pipeline_mode = #tpu.pipeline_mode<synchronous>, transform_indices = @transform_1, window_bounds = array<i64: 132, 16>}, {transform_indices = @transform_2, window_bounds = array<i64: 2000, 2>}, {transform_indices = @transform_3, window_bounds = array<i64: 2000, 16>}, {transform_indices = @transform_4, window_bounds = array<i64: 2000, 1>}]} {
    %get3A = arith.constant 0 : index
    %get3A_0 = arith.constant 0 : index
    %get3A_1 = vector.load %arg3[%get3A, %get3A_0] : memref<2000x2xf32, #tpu.memory_space<vmem>>, vector<2000x1xf32>
    %get3A_2 = vector.shape_cast %get3A_1 : vector<2000x1xf32> to vector<2000xf32>
    %get3A_3 = arith.constant 0 : index
    %get3A_4 = arith.constant 1 : index
    %get3A_5 = vector.load %arg3[%get3A_3, %get3A_4] : memref<2000x2xf32, #tpu.memory_space<vmem>>, vector<2000x1xf32>
    %get3A_6 = vector.shape_cast %get3A_5 : vector<2000x1xf32> to vector<2000xf32>
    %add3A = arith.addf %get3A_2, %get3A_6 : vector<2000xf32>
    %add3A_7 = arith.constant 1.000000e+00 : f32
    %add3A_8 = vector.broadcast %add3A_7 : f32 to vector<2000xf32>
    %add3A_9 = arith.addf %add3A, %add3A_8 : vector<2000xf32>
    %rsqrt3A = math.rsqrt %add3A_9 : vector<2000xf32>
    %broadcast_in_dim3A = vector.shape_cast %rsqrt3A : vector<2000xf32> to vector<2000x1xf32>
    %get3A_10 = arith.constant 0 : index
    %get3A_11 = arith.constant 0 : index
    %get3A_12 = vector.load %arg1[%get3A_10, %get3A_11] : memref<2000x132xf32, #tpu.memory_space<vmem>>, vector<2000x132xf32>
    %get3A_13 = arith.constant 0 : index
    %get3A_14 = arith.constant 0 : index
    %get3A_15 = vector.load %arg2[%get3A_13, %get3A_14] : memref<132x16xf32, #tpu.memory_space<vmem>>, vector<132x16xf32>
    %dot_general3A = arith.constant dense<0.000000e+00> : vector<2000x16xf32>
    %dot_general3A_16 = tpu.matmul %get3A_12, %get3A_15, %dot_general3A {dimension_numbers = #tpu.dot_dimension_numbers<[1], [0], [0], [1], [0, 0, 1, 1], [], []>, transpose_lhs_hint = false} : vector<2000x132xf32>, vector<132x16xf32>, vector<2000x16xf32> -> vector<2000x16xf32>
    %mul3A = vector.broadcast %broadcast_in_dim3A : vector<2000x1xf32> to vector<2000x16xf32>
    %mul3A_17 = arith.mulf %dot_general3A_16, %mul3A : vector<2000x16xf32>
    %swap3A = arith.constant 0 : index
    %swap3A_18 = arith.constant 0 : index
    %swap3A_19 = vector.load %arg4[%swap3A, %swap3A_18] : memref<2000x16xf32, #tpu.memory_space<vmem>>, vector<2000x16xf32>
    tpu.vector_store %arg4[%swap3A, %swap3A_18], %mul3A_17 {strides = array<i32>} : memref<2000x16xf32, #tpu.memory_space<vmem>>, vector<2000x16xf32>,
    %swap3A_20 = arith.constant 0 : index
    %swap3A_21 = arith.constant 0 : index
    %swap3A_22 = vector.load %arg5[%swap3A_20, %swap3A_21] : memref<2000x1xf32, #tpu.memory_space<vmem>>, vector<2000x1xf32>
    tpu.vector_store %arg5[%swap3A_20, %swap3A_21], %broadcast_in_dim3A {strides = array<i32>} : memref<2000x1xf32, #tpu.memory_space<vmem>>, vector<2000x1xf32>,
    return
  }
  func.func @transform_0(%arg0: i32) -> (i32, i32) {
    %c0_i32 = arith.constant 0 : i32
    %c0_i32_0 = arith.constant 0 : i32
    return %arg0, %c0_i32 : i32, i32
  }
  func.func @transform_1(%arg0: i32) -> (i32, i32) {
    %c0_i32 = arith.constant 0 : i32
    %c0_i32_0 = arith.constant 0 : i32
    %c0_i32_1 = arith.constant 0 : i32
    return %c0_i32, %c0_i32_0 : i32, i32
  }
  func.func @transform_2(%arg0: i32) -> (i32, i32) {
    %c0_i32 = arith.constant 0 : i32
    %c0_i32_0 = arith.constant 0 : i32
    return %arg0, %c0_i32 : i32, i32
  }
  func.func @transform_3(%arg0: i32) -> (i32, i32) {
    %c0_i32 = arith.constant 0 : i32
    %c0_i32_0 = arith.constant 0 : i32
    return %arg0, %c0_i32 : i32, i32
  }
  func.func @transform_4(%arg0: i32) -> (i32, i32) {
    %c0_i32 = arith.constant 0 : i32
    %c0_i32_0 = arith.constant 0 : i32
    return %arg0, %c0_i32 : i32, i32
  }
}

module attributes {stable_mosaic.version = 14 : i64} {
  func.func @_tcB_body(%arg0: i32, %arg1: memref<2x2000x16xf32, #tpu.memory_space<vmem>>, %arg2: memref<2000x16xf32, #tpu.memory_space<vmem>>, %arg3: memref<2000x1xf32, #tpu.memory_space<vmem>>, %arg4: memref<16x16xf32, #tpu.memory_space<vmem>>, %arg5: memref<1x16xf32, #tpu.memory_space<vmem>>, %arg6: memref<2000x16xf32, #tpu.memory_space<vmem>>) attributes {dimension_semantics = [#tpu.dimension_semantics<arbitrary>], iteration_bounds = array<i64: 50>, scalar_prefetch = 0 : i64, scratch_operands = 0 : i64, tpu.core_type = #tpu.core_type<tc>, window_params = [{transform_indices = @transform_0, window_bounds = array<i64: 2, 2000, 16>}, {transform_indices = @transform_1, window_bounds = array<i64: 2000, 16>}, {transform_indices = @transform_2, window_bounds = array<i64: 2000, 1>}, {pipeline_mode = #tpu.pipeline_mode<synchronous>, transform_indices = @transform_3, window_bounds = array<i64: 16, 16>}, {pipeline_mode = #tpu.pipeline_mode<synchronous>, transform_indices = @transform_4, window_bounds = array<i64: 1, 16>}, {transform_indices = @transform_5, window_bounds = array<i64: 2000, 16>}]} {
    %get3A = arith.constant 0 : index
    %get3A_0 = arith.constant 0 : index
    %get3A_1 = vector.load %arg3[%get3A, %get3A_0] : memref<2000x1xf32, #tpu.memory_space<vmem>>, vector<2000x1xf32>
    %get3A_2 = arith.constant 0 : index
    %get3A_3 = arith.constant 0 : index
    %get3A_4 = arith.constant 0 : index
    %get3A_5 = vector.load %arg1[%get3A_2, %get3A_3, %get3A_4] : memref<2x2000x16xf32, #tpu.memory_space<vmem>>, vector<1x2000x16xf32>
    %get3A_6 = vector.shape_cast %get3A_5 : vector<1x2000x16xf32> to vector<2000x16xf32>
    %get3A_7 = arith.constant 1 : index
    %get3A_8 = arith.constant 0 : index
    %get3A_9 = arith.constant 0 : index
    %get3A_10 = vector.load %arg1[%get3A_7, %get3A_8, %get3A_9] : memref<2x2000x16xf32, #tpu.memory_space<vmem>>, vector<1x2000x16xf32>
    %get3A_11 = vector.shape_cast %get3A_10 : vector<1x2000x16xf32> to vector<2000x16xf32>
    %add3A = arith.addf %get3A_6, %get3A_11 : vector<2000x16xf32>
    %get3A_12 = arith.constant 0 : index
    %get3A_13 = arith.constant 0 : index
    %get3A_14 = vector.load %arg2[%get3A_12, %get3A_13] : memref<2000x16xf32, #tpu.memory_space<vmem>>, vector<2000x16xf32>
    %add3A_15 = arith.addf %add3A, %get3A_14 : vector<2000x16xf32>
    %mul3A = vector.broadcast %get3A_1 : vector<2000x1xf32> to vector<2000x16xf32>
    %mul3A_16 = arith.mulf %add3A_15, %mul3A : vector<2000x16xf32>
    %get3A_17 = arith.constant 0 : index
    %get3A_18 = arith.constant 0 : index
    %get3A_19 = vector.load %arg5[%get3A_17, %get3A_18] : memref<1x16xf32, #tpu.memory_space<vmem>>, vector<1x16xf32>
    %add3A_20 = vector.broadcast %get3A_19 : vector<1x16xf32> to vector<2000x16xf32>
    %add3A_21 = arith.addf %mul3A_16, %add3A_20 : vector<2000x16xf32>
    %max3A = arith.constant 0.000000e+00 : f32
    %max3A_22 = vector.broadcast %max3A : f32 to vector<2000x16xf32>
    %max3A_23 = arith.maximumf %add3A_21, %max3A_22 : vector<2000x16xf32>
    %get3A_24 = arith.constant 0 : index
    %get3A_25 = arith.constant 0 : index
    %get3A_26 = vector.load %arg4[%get3A_24, %get3A_25] : memref<16x16xf32, #tpu.memory_space<vmem>>, vector<16x16xf32>
    %dot_general3A = arith.constant dense<0.000000e+00> : vector<2000x16xf32>
    %dot_general3A_27 = tpu.matmul %max3A_23, %get3A_26, %dot_general3A {dimension_numbers = #tpu.dot_dimension_numbers<[1], [0], [0], [1], [0, 0, 1, 1], [], []>, transpose_lhs_hint = false} : vector<2000x16xf32>, vector<16x16xf32>, vector<2000x16xf32> -> vector<2000x16xf32>
    %mul3A_28 = vector.broadcast %get3A_1 : vector<2000x1xf32> to vector<2000x16xf32>
    %mul3A_29 = arith.mulf %dot_general3A_27, %mul3A_28 : vector<2000x16xf32>
    %swap3A = arith.constant 0 : index
    %swap3A_30 = arith.constant 0 : index
    %swap3A_31 = vector.load %arg6[%swap3A, %swap3A_30] : memref<2000x16xf32, #tpu.memory_space<vmem>>, vector<2000x16xf32>
    tpu.vector_store %arg6[%swap3A, %swap3A_30], %mul3A_29 {strides = array<i32>} : memref<2000x16xf32, #tpu.memory_space<vmem>>, vector<2000x16xf32>,
    return
  }
  func.func @transform_0(%arg0: i32) -> (i32, i32, i32) {
    %c0_i32 = arith.constant 0 : i32
    %c0_i32_0 = arith.constant 0 : i32
    %c0_i32_1 = arith.constant 0 : i32
    return %c0_i32, %arg0, %c0_i32_0 : i32, i32, i32
  }
  func.func @transform_1(%arg0: i32) -> (i32, i32) {
    %c0_i32 = arith.constant 0 : i32
    %c0_i32_0 = arith.constant 0 : i32
    return %arg0, %c0_i32 : i32, i32
  }
  func.func @transform_2(%arg0: i32) -> (i32, i32) {
    %c0_i32 = arith.constant 0 : i32
    %c0_i32_0 = arith.constant 0 : i32
    return %arg0, %c0_i32 : i32, i32
  }
  func.func @transform_3(%arg0: i32) -> (i32, i32) {
    %c0_i32 = arith.constant 0 : i32
    %c0_i32_0 = arith.constant 0 : i32
    %c0_i32_1 = arith.constant 0 : i32
    return %c0_i32, %c0_i32_0 : i32, i32
  }
  func.func @transform_4(%arg0: i32) -> (i32, i32) {
    %c0_i32 = arith.constant 0 : i32
    %c0_i32_0 = arith.constant 0 : i32
    %c0_i32_1 = arith.constant 0 : i32
    return %c0_i32, %c0_i32_0 : i32, i32
  }
  func.func @transform_5(%arg0: i32) -> (i32, i32) {
    %c0_i32 = arith.constant 0 : i32
    %c0_i32_0 = arith.constant 0 : i32
    return %arg0, %c0_i32 : i32, i32
  }
}

module attributes {stable_mosaic.version = 14 : i64} {
  func.func @_tcC_body(%arg0: i32, %arg1: memref<2x2000x16xf32, #tpu.memory_space<vmem>>, %arg2: memref<2000x16xf32, #tpu.memory_space<vmem>>, %arg3: memref<2000x1xf32, #tpu.memory_space<vmem>>, %arg4: memref<1x10xf32, #tpu.memory_space<vmem>>, %arg5: memref<2000x10xf32, #tpu.memory_space<vmem>>) attributes {dimension_semantics = [#tpu.dimension_semantics<arbitrary>], iteration_bounds = array<i64: 50>, scalar_prefetch = 0 : i64, scratch_operands = 0 : i64, tpu.core_type = #tpu.core_type<tc>, window_params = [{transform_indices = @transform_0, window_bounds = array<i64: 2, 2000, 16>}, {transform_indices = @transform_1, window_bounds = array<i64: 2000, 16>}, {transform_indices = @transform_2, window_bounds = array<i64: 2000, 1>}, {pipeline_mode = #tpu.pipeline_mode<synchronous>, transform_indices = @transform_3, window_bounds = array<i64: 1, 10>}, {transform_indices = @transform_4, window_bounds = array<i64: 2000, 10>}]} {
    %get3A = arith.constant 0 : index
    %get3A_0 = arith.constant 0 : index
    %get3A_1 = arith.constant 0 : index
    %get3A_2 = vector.load %arg1[%get3A, %get3A_0, %get3A_1] : memref<2x2000x16xf32, #tpu.memory_space<vmem>>, vector<1x2000x16xf32>
    %get3A_3 = vector.shape_cast %get3A_2 : vector<1x2000x16xf32> to vector<2000x16xf32>
    %get3A_4 = arith.constant 1 : index
    %get3A_5 = arith.constant 0 : index
    %get3A_6 = arith.constant 0 : index
    %get3A_7 = vector.load %arg1[%get3A_4, %get3A_5, %get3A_6] : memref<2x2000x16xf32, #tpu.memory_space<vmem>>, vector<1x2000x16xf32>
    %get3A_8 = vector.shape_cast %get3A_7 : vector<1x2000x16xf32> to vector<2000x16xf32>
    %add3A = arith.addf %get3A_3, %get3A_8 : vector<2000x16xf32>
    %get3A_9 = arith.constant 0 : index
    %get3A_10 = arith.constant 0 : index
    %get3A_11 = vector.load %arg2[%get3A_9, %get3A_10] : memref<2000x16xf32, #tpu.memory_space<vmem>>, vector<2000x16xf32>
    %add3A_12 = arith.addf %add3A, %get3A_11 : vector<2000x16xf32>
    %get3A_13 = arith.constant 0 : index
    %get3A_14 = arith.constant 0 : index
    %get3A_15 = vector.load %arg3[%get3A_13, %get3A_14] : memref<2000x1xf32, #tpu.memory_space<vmem>>, vector<2000x1xf32>
    %mul3A = vector.broadcast %get3A_15 : vector<2000x1xf32> to vector<2000x16xf32>
    %mul3A_16 = arith.mulf %add3A_12, %mul3A : vector<2000x16xf32>
    %slice3A = vector.extract_strided_slice %mul3A_16 {offsets = [0, 0], sizes = [2000, 10], strides = [1, 1]} : vector<2000x16xf32> to vector<2000x10xf32>
    %get3A_17 = arith.constant 0 : index
    %get3A_18 = arith.constant 0 : index
    %get3A_19 = vector.load %arg4[%get3A_17, %get3A_18] : memref<1x10xf32, #tpu.memory_space<vmem>>, vector<1x10xf32>
    %add3A_20 = vector.broadcast %get3A_19 : vector<1x10xf32> to vector<2000x10xf32>
    %add3A_21 = arith.addf %slice3A, %add3A_20 : vector<2000x10xf32>
    %reduce_max3A = arith.constant dense<0xFF800000> : vector<2000xf32>
    %reduce_max3A_22 = vector.multi_reduction <maximumf>, %add3A_21, %reduce_max3A [1] : vector<2000x10xf32> to vector<2000xf32>
    %broadcast_in_dim3A = vector.shape_cast %reduce_max3A_22 : vector<2000xf32> to vector<2000x1xf32>
    %sub3A = vector.broadcast %broadcast_in_dim3A : vector<2000x1xf32> to vector<2000x10xf32>
    %sub3A_23 = arith.subf %add3A_21, %sub3A : vector<2000x10xf32>
    %exp3A = math.exp %sub3A_23 : vector<2000x10xf32>
    %reduce_sum3A = arith.constant dense<0.000000e+00> : vector<2000xf32>
    %reduce_sum3A_24 = vector.multi_reduction <add>, %exp3A, %reduce_sum3A [1] : vector<2000x10xf32> to vector<2000xf32>
    %broadcast_in_dim3A_25 = vector.shape_cast %reduce_sum3A_24 : vector<2000xf32> to vector<2000x1xf32>
    %log3A = math.log %broadcast_in_dim3A_25 : vector<2000x1xf32>
    %sub3A_26 = vector.broadcast %log3A : vector<2000x1xf32> to vector<2000x10xf32>
    %sub3A_27 = arith.subf %sub3A_23, %sub3A_26 : vector<2000x10xf32>
    %swap3A = arith.constant 0 : index
    %swap3A_28 = arith.constant 0 : index
    %swap3A_29 = vector.load %arg5[%swap3A, %swap3A_28] : memref<2000x10xf32, #tpu.memory_space<vmem>>, vector<2000x10xf32>
    tpu.vector_store %arg5[%swap3A, %swap3A_28], %sub3A_27 {strides = array<i32>} : memref<2000x10xf32, #tpu.memory_space<vmem>>, vector<2000x10xf32>,
    return
  }
  func.func @transform_0(%arg0: i32) -> (i32, i32, i32) {
    %c0_i32 = arith.constant 0 : i32
    %c0_i32_0 = arith.constant 0 : i32
    %c0_i32_1 = arith.constant 0 : i32
    return %c0_i32, %arg0, %c0_i32_0 : i32, i32, i32
  }
  func.func @transform_1(%arg0: i32) -> (i32, i32) {
    %c0_i32 = arith.constant 0 : i32
    %c0_i32_0 = arith.constant 0 : i32
    return %arg0, %c0_i32 : i32, i32
  }
  func.func @transform_2(%arg0: i32) -> (i32, i32) {
    %c0_i32 = arith.constant 0 : i32
    %c0_i32_0 = arith.constant 0 : i32
    return %arg0, %c0_i32 : i32, i32
  }
  func.func @transform_3(%arg0: i32) -> (i32, i32) {
    %c0_i32 = arith.constant 0 : i32
    %c0_i32_0 = arith.constant 0 : i32
    %c0_i32_1 = arith.constant 0 : i32
    return %c0_i32, %c0_i32_0 : i32, i32
  }
  func.func @transform_4(%arg0: i32) -> (i32, i32) {
    %c0_i32 = arith.constant 0 : i32
    %c0_i32_0 = arith.constant 0 : i32
    return %arg0, %c0_i32 : i32, i32
  }
}

</mosaic_0001>

<sc_bundles>
// kernel: kernel.11.cloned.1.call-start
scs
__scs_entry_jumppad:
0x0: {  	(pc) =	sbr.rel $0x88, $3  }
0x1: {  	(tag) =	ssettag $0x0;
	lr =	simm.s32 $0x1  }
0x2: {  	[smem:$0x3F9B] =	sst lr;
	_ =	strace $0xD0000000  }
0x3: {  	_ = 	snop  }
0x4: {  	_ = 	snop  }
0x5: {  	_ = 	snop  }
0x6: {  	_ = 	snop  }
0x7: {  	_ = 	snop  }
__scs_overlays_trampoline_lowered:
0x8: {  	[smem:$0x3FAA] =	sst s0  }
0x9: {  	[smem:$0x3FAB] =	sst s1  }
0xa: {  	[smem:$0x3FAC] =	sst s2  }
0xb: {  	[smem:$0x3FAD] =	sst s3  }
0xc: {  	[smem:$0x3FAE] =	sst s4  }
0xd: {  	[smem:$0x3FAF] =	sst s5  }
0xe: {  	[smem:$0x3FB0] =	sst s6  }
0xf: {  	[smem:$0x3FB1] =	sst s7  }
0x10: {  	[smem:$0x3FB2] =	sst s8  }
0x11: {  	[smem:$0x3FB3] =	sst s9;
	s0 =	simm.s32 @!p0 $0x0  }
0x12: {  	s1 =	sld [smem:$0x3F99];
	s0 =	simm.s32 @p0 $0x1  }
0x13: {  	[smem:$0x3FB4] =	sst s0;
	s0 =	simm.s32 @!p1 $0x0  }
0x14: {  	s2 =	sld [smem:$0x3F98];
	s0 =	simm.s32 @p1 $0x1  }
0x15: {  	[smem:$0x3FB5] =	sst s0;
	s0 =	simm.s32 @!p2 $0x0  }
0x16: {  	s3 =	sld [smem:$0x3FDB];
	s0 =	simm.s32 @p2 $0x1  }
0x17: {  	s4 =	simm.s32 $0x1BF5;
	[smem:$0x3FB7] =	sst s0  }
0x18: {  	s0 =	sld [smem:$0x3F9A];
	_ =	swait.ge [sflag:s4], $0x0  }
0x19: {  	s7 =	sld [smem:$0x3F9B]  }
0x1a: {  	s8 =	sadd.s32 $0xFFFFE003, lr  }
0x1b: {  	s9 =	sadd.s32 $0xFFFFFEF7, lr;
	s5 =	simm.s32 $0xFFFFFFFF;
	p2 =	slt.u32 s8, $0xFFFFF086  }
0x1c: {  	p1 =	slt.u32 s9, $0xF7A;
	s5 =	simm.s32 @!p2 $0x0  }
0x1d: {  	s5 =	simm.s32 @p1 $0x1;
	p0 =	seq.s32 s7, s2  }
0x1e: {  	s7 =	smul.u32 @!p0 $0xF7A, s2;
	p2 =	seq.s32 @!p0 s5, $0x0  }
0x1f: {  	s9 =	smul.u32 $0xF7A, s1;
	s8 =	simm.s32 @!p0 $0x1BF5;
	p2 =	por !p2, p0  }
0x20: {  	[sflag:s8] =	ssyncset.s32 @!p0 $0xFFFFF086;
	s6 =	sadd.s32 @!p0 s3, s7;
	s7 =	simm.s32 @!p0 $0x108  }
0x21: {  	s3 =	sadd.s32 s3, s9;
	s6 =	sadd.s32 @!p0 $0x88, s6;
	s7 =	simm.s32 @p2 $0x1082  }
0x22: {  	[simem:s7], [sflag:s8] =	dma.local @!p0 [hbm:s6], $0xF7A  }
0x23: {  	s9 =	sor.u32 $0xD0000000, s2;
	s6 =	simm.s32 $0x108;
	_ =	swait.ge @!p0 [sflag:s8], $0x0  }
0x24: {  	s3 =	sadd.s32 $0x88, s3;
	s6 =	simm.s32 @!p1 $0x1082;
	[sflag:s4] =	ssyncset.s32 $0xFFFFF086  }
0x25: {  	[simem:s6], [sflag:s4] =	dma.local [hbm:s3], $0xF7A  }
0x26: {  	[smem:$0x3F9B] =	sst s1;
	(tag) =	ssettag s2;
	_ =	strace s9  }
0x27: {  	s1 =	sld [smem:$0x3FAB]  }
0x28: {  	s2 =	sld [smem:$0x3FAC]  }
0x29: {  	s4 =	sld [smem:$0x3FAE]  }
0x2a: {  	p0 =	seq.s32 s5, $0x0;
	s5 =	sld [smem:$0x3FAF]  }
0x2b: {  	s6 =	sld [smem:$0x3FB0]  }
0x2c: {  	s7 =	sld [smem:$0x3FB1]  }
0x2d: {  	s3 =	simm.s32 $0x108;
	s8 =	sld [smem:$0x3FB2]  }
0x2e: {  	s3 =	simm.s32 @!p0 $0x1082;
	s9 =	sld [smem:$0x3FB3]  }
0x2f: {  	lr =	sadd.s32 s0, s3;
	s0 =	sld [smem:$0x3FAA]  }
0x30: {  	s3 =	sld [smem:$0x3FAD]  }
0x31: {  	[smem:$0x3FB6] =	sst s10  }
0x32: {  	s10 =	sld [smem:$0x3FB4];
	_ =	sdelay $0x3  }
0x33: {  	p0 =	seq.s32 s10, $0x1;
	s10 =	sld [smem:$0x3FB6];
	_ =	sdelay $0x3  }
0x34: {  	[smem:$0x3FB6] =	sst s10  }
0x35: {  	s10 =	sld [smem:$0x3FB5];
	_ =	sdelay $0x3  }
0x36: {  	p1 =	seq.s32 s10, $0x1;
	s10 =	sld [smem:$0x3FB6];
	_ =	sdelay $0x3  }
0x37: {  	[smem:$0x3FB6] =	sst s10  }
0x38: {  	s10 =	sld [smem:$0x3FB7]  }
0x39: {  	_ = 	snop;
	(pc) =	sbr.ind lr, $3  }
0x3a: {  	_ = 	snop  }
0x3b: {  	_ = 	snop  }
0x3c: {  	p2 =	seq.s32 s10, $0x1;
	s10 =	sld [smem:$0x3FB6]  }
0x3d: {  	_ =	shalt  }
0x3e: {  	_ =	shalt  }
0x3f: {  	_ =	shalt  }
0x40: {  	_ =	shalt  }
0x41: {  	_ =	shalt  }
0x42: {  	_ =	shalt  }
0x43: {  	_ =	shalt  }
0x44: {  	_ =	shalt  }
0x45: {  	_ =	shalt  }
0x46: {  	_ =	shalt  }
0x47: {  	_ =	shalt  }
0x48: {  	_ =	shalt  }
0x49: {  	_ =	shalt  }
0x4a: {  	_ =	shalt  }
0x4b: {  	_ =	shalt  }
0x4c: {  	_ =	shalt  }
0x4d: {  	_ =	shalt  }
0x4e: {  	_ =	shalt  }
0x4f: {  	_ =	shalt  }
0x50: {  	_ =	shalt  }
0x51: {  	_ =	shalt  }
0x52: {  	_ =	shalt  }
0x53: {  	_ =	shalt  }
0x54: {  	_ =	shalt  }
0x55: {  	_ =	shalt  }
0x56: {  	_ =	shalt  }
0x57: {  	_ =	shalt  }
0x58: {  	_ =	shalt  }
0x59: {  	_ =	shalt  }
0x5a: {  	_ =	shalt  }
0x5b: {  	_ =	shalt  }
0x5c: {  	_ =	shalt  }
0x5d: {  	_ =	shalt  }
0x5e: {  	_ =	shalt  }
0x5f: {  	_ =	shalt  }
0x60: {  	_ =	shalt  }
0x61: {  	_ =	shalt  }
0x62: {  	_ =	shalt  }
0x63: {  	_ =	shalt  }
0x64: {  	_ =	shalt  }
0x65: {  	_ =	shalt  }
0x66: {  	_ =	shalt  }
0x67: {  	_ =	shalt  }
0x68: {  	_ =	shalt  }
0x69: {  	_ =	shalt  }
0x6a: {  	_ =	shalt  }
0x6b: {  	_ =	shalt  }
0x6c: {  	_ =	shalt  }
0x6d: {  	_ =	shalt  }
0x6e: {  	_ =	shalt  }
0x6f: {  	_ =	shalt  }
0x70: {  	_ =	shalt  }
0x71: {  	_ =	shalt  }
0x72: {  	_ =	shalt  }
0x73: {  	_ =	shalt  }
0x74: {  	_ =	shalt  }
0x75: {  	_ =	shalt  }
0x76: {  	_ =	shalt  }
0x77: {  	_ =	shalt  }
0x78: {  	_ =	shalt  }
0x79: {  	_ =	shalt  }
0x7a: {  	_ =	shalt  }
0x7b: {  	_ =	shalt  }
0x7c: {  	_ =	shalt  }
0x7d: {  	_ =	shalt  }
0x7e: {  	_ =	shalt  }
0x7f: {  	_ =	shalt  }
0x80: {  	_ =	shalt  }
0x81: {  	_ =	shalt  }
0x82: {  	_ =	shalt  }
0x83: {  	_ =	shalt  }
0x84: {  	_ =	shalt  }
0x85: {  	_ =	shalt  }
0x86: {  	_ =	shalt  }
0x87: {  	_ =	shalt  }
.Lfunc_end0:
.L_simem_size_0:
called_computation.1_lowered:
.L_overlay_start_0:
0x88: {  	s2 =	sld [smem:$0x3FD9]  }
0x89: {  	s3 =	sld [smem:$0x3FFE];
	_ =	sdelay $0x1  }
0x8a: {  	s1 =	srdreg.scid  }
0x8b: {  	s0 =	sand.u32 $0x1, s1  }
0x8c: {  	s17 =	sshll.u32 s0, $0xA;
	s2 =	sadd.s32 s3, s2  }
0x8d: {  	s2 =	sadd.s32 s2, s17  }
0x8e: {  	[smem:$0x3FC2] =	sst s2  }
0x8f: {  	_ = 	snop  }
0x90: {  	s2 =	sld [smem:$0x3FD0];
	(tm) =	ssettm $0x1  }
0x91: {  	s18 =	sld [smem:$0x3FFB];
	_ =	sdelay $0x3  }
0x92: {  	_ =	strace s18  }
0x93: {  	s3 =	sld [smem:$0x3FFC];
	_ =	sdelay $0x3  }
0x94: {  	_ =	strace s3  }
0x95: {  	s3 =	sld [smem:$0x3FFD];
	_ =	sdelay $0x3  }
0x96: {  	_ =	strace s3  }
0x97: {  	_ =	strace $0x8FFFFFFF  }
0x98: {  	s19 =	sld [smem:$0x3FDB];
	_ =	sdelay $0x1  }
0x99: {  	s4 =	simm.s32 $_scs_section_size  }
0x9a: {  	s5 =	simm.s32 $_size__tile_overlayer_lowered;
	s6 =	simm.s32 $_tile_overlayer_lowered  }
0x9b: {  	s22 =	simm.s32 $0x1BFF;
	s21 =	sshll.u32 s6, $0x1;
	s3 =	sadd.s32 s4, s19  }
0x9c: {  	s7 =	simm.s32 $0x0;
	s20 =	sshll.u32 s5, $0x1;
	s5 =	sadd.s32 s21, s3  }
0x9d: {  	[timem:s7], [sflag:s22] =	dma.local [hbm:s5], s20  }
0x9e: {  	_ =	swait.ge [sflag:s22], s20  }
0x9f: {  	s4 =	ssub.s32 $0x0, s20;
	[sflag:s22] =	ssyncset.done $0x0  }
0xa0: {  	[sflag:s22] =	ssyncadd.s32 s4;
	_ =	sdelay $0x1  }
0xa1: {  	s23 =	simm.s32 $0x1B8B  }
0xa2: {  	_ =	swait.ge [sflag:s23], $0x1  }
0xa3: {  	[sflag:s23] =	ssyncset.done $0x0  }
0xa4: {  	s25 =	simm.s32 $0x1B8E;
	s24 =	sld [smem:$0x3FFE];
	[sflag:s23] =	ssyncadd.s32 $0xFFFFFFFF  }
0xa5: {  	s26 =	simm.s32 $execute0_lowered;
	[smem:$0x3FD2] =	sst s25  }
0xa6: {  	s5 =	sshll.u32 s26, $0x1;
	_ =	strace $0x80000049;
	[dreg:$0x1] =	wrdreg $0xFFFFFFFF  }
0xa7: {  	s28 =	simm.s32 $_size_execute0_lowered;
	s3 =	sadd.s32 s3, s5;
	[dreg:$0x0] =	wrdreg $0x0  }
0xa8: {  	s5 =	sshll.u32 s28, $0x1;
	[dreg:$0x2] =	wrdreg s3  }
0xa9: {  	[dreg:$0x3] =	wrdreg s5  }
0xaa: {  	[dreg:$0x4] =	wrdreg $0xC0  }
0xab: {  	_ =	task [dreg:s7], $0x5FFFF  }
0xac: {  	[dreg:$0x1] =	wrdreg $0xFFFFFFFF  }
0xad: {  	[dreg:$0x0] =	wrdreg $0x60  }
0xae: {  	[dreg:$0x2] =	wrdreg s24  }
0xaf: {  	[dreg:$0x3] =	wrdreg s2  }
0xb0: {  	[dreg:$0x4] =	wrdreg $0x0  }
0xb1: {  	[dreg:$0x5] =	wrdreg $0x9  }
0xb2: {  	_ =	task.clear_ibuf [dreg:s7], $0x6FFFF;
	_ =	strace $0x90000049  }
0xb3: {  	s29 =	simm.s32 $0x9;
	_ =	strace $0x8000004B  }
0xb4: {  	_ =	swait.ge [sflag:s29], $0x1  }
0xb5: {  	[sflag:s29] =	ssyncadd.s32 $0xFFFFFFFF  }
0xb6: {  	_ =	strace $0x9000004B  }
0xb7: {  	_ =	sfence  }
0xb8: {  	s30 =	sld [smem:$0x0];
	_ =	sdelay $0x2  }
0xb9: {  	s31 =	sshll.u32 s1, $0xD;
	s1 =	sshrl.u32 s1, $0x2  }
0xba: {  	s3 =	sand.u32 $0x4000, s31;
	s1 =	sadd.s32 s1, s30  }
0xbb: {  	s0 =	sor.u32 s3, s0;
	s1 =	sshll.u32 s1, $0x11  }
0xbc: {  	s0 =	sor.u32 s1, s0  }
0xbd: {  	s0 =	sadd.s32 $0x8F2B, s0  }
0xbe: {  	[sflag:s0] =	ssyncadd.remote.s32 $0x1  }
0xbf: {  	_ =	sfence.sel $0xFFFF  }
0xc0: {  	[dreg:$0x0] =	wrdreg $0xFFFFFFFF;
	(pc) =	sbr.abs _section_cstart, $3  }
0xc1: {  	[dreg:$0x1] =	wrdreg $0xFFFFFFFF  }
0xc2: {  	_ =	task.clear_ibuf [dreg:s7], $0x2FFFF;
	_ =	strace $0x9FFFFFFF  }
0xc3: {  	(tm) =	ssettm $0x7FFFFFFF  }
tec
execute0_lowered:
.L_overlay_start_1:
0x0: {  	(tag) =	ssettag $0x1  }
0x1: {  	s5 =	rddreg [dreg:$0x0]  }
0x2: {  	s16 =	rddreg [dreg:$0x1]  }
0x3: {  	s2 =	rddreg [dreg:$0x2]  }
0x4: {  	s0 =	srdreg.scid;
	s1 =	rddreg [dreg:$0x3];
	s3 =	simm.s32 $0x0  }
0x5: {  	s18 =	simm.s32 $0x2;
	s19 =	simm.s32 $0x18800;
	s6 =	sand.u32 $0x1, s0  }
0x6: {  	s20 =	simm.s32 $0x18850;
	s0 =	stileid.u32;
	s4 =	smul.u32 $0xC3500, s6  }
0x7: {  	s21 =	simm.s32 $0x50;
	s22 =	simm.s32 $0x188A0;
	s7 =	smul.u32 $0xC350, s0  }
0x8: {  	s23 =	simm.s32 $0x1;
	s25 =	simm.s32 $0x0;
	s8 =	smul.u32 $0x188000, s6  }
0x9: {  	[smem:$0x7FF] =	sst s3;
	s9 =	smul.u32 $0x18800, s0;
	s6 =	ssub.s32 $0x2, s6  }
0xa: {  	_ =	strace $0x8000004A;
	s29 =	smul.u32 $0x62000, s0;
	s30 =	sshrl.u32 s6, $0x1  }
0xb: {  	s7 =	sadd.s32 s7, s4;
	s4 =	sadd.s32 $0x31600, s5;
	s28 =	sadd.s32 s9, s8  }
0xc: {  	s6 =	ssub.s32 s6, s30;
	s31 =	sshrl.u32 s29, $0x2;
	s24 =	sadd.s32 s9, s2  }
0xd: {  	s17 =	sshrl.u32 s7, $0x3;
	s7 =	sshrl.u32 s28, $0x3;
	s6 =	smax.u32 s6, $0x1  }
0xe: {  	s24 =	sshrl.u32 s24, $0x3;
	s15 =	sadd.s32 s17, s5;
	s5 =	sadd.s32 s7, s5  }
0xf: {  	s7 =	sadd.s32 s31, s2;
	s16 =	sadd.s32 s17, s16;
	s17 =	simm.s32 $0x18DA0  }
0x10: {  	s5 =	sadd.s32 $0x62400, s5;
	s8 =	sadd.s32 $0x3100, s7;
	s9 =	sadd.s32 $0x6200, s7  }
0x11: {  	s10 =	sadd.s32 $0x9300, s7;
	s11 =	sadd.s32 $0xC400, s7;
	s12 =	sadd.s32 $0xF500, s7  }
0x12: {  	v0 =	vimm.f32 $0.0e+00;
	s13 =	sadd.s32 $0x12600, s7;
	s14 =	sadd.s32 $0x15700, s7;
	s15 =	sadd.s32 $0x800, s15  }
.LBB2_1:
0x13: {  	s26 =	simm.s32 $0x40;
	s28 =	simm.s32 $0x0  }
.LBB2_2:
0x14: {  	p0 =	sne.s32 s26, $0xC3C0;
	[tilespmem:s28+$0x18DA0] =	vst v0;
	s28 =	smov.u32 s26;
	s26 =	sadd.s32 $0x40, s26  }
.Ltmp0:
0x15: {  	(pc) =	sbr.rel @p0 .LBB2_2-.Ltmp0, $2  }
0x16: {  	_ =	sdelay $0x2  }
0x17: {  	s28 =	sshra.s32 s28, $0x2  }
0x18: {  	[tilespmem:s28+$0x18DA0] =	vst v0  }
0x19: {  	[spmem:s7] =	stream.linear.scatter [tilespmem:s17], [sflag:$0x2], $0x3100, $0x38;
	[tilespmem:$0x1BEA0] =	vst v63  }
0x1a: {  	_ =	swait.ge [sflag:s18], $0x3100  }
0x1b: {  	[sflag:s18] =	ssyncset.done $0x0  }
0x1c: {  	[sflag:s18] =	ssyncadd.s32 $0xFFFFCF00  }
0x1d: {  	[spmem:s8] =	stream.linear.scatter [tilespmem:s17], [sflag:$0x2], $0x3100, $0x38;
	[tilespmem:$0x1BEA0] =	vst v63  }
0x1e: {  	_ =	swait.ge [sflag:s18], $0x3100  }
0x1f: {  	[sflag:s18] =	ssyncset.done $0x0  }
0x20: {  	[sflag:s18] =	ssyncadd.s32 $0xFFFFCF00  }
0x21: {  	[spmem:s9] =	stream.linear.scatter [tilespmem:s17], [sflag:$0x2], $0x3100, $0x38;
	[tilespmem:$0x1BEA0] =	vst v63  }
0x22: {  	_ =	swait.ge [sflag:s18], $0x3100  }
0x23: {  	[sflag:s18] =	ssyncset.done $0x0  }
0x24: {  	[sflag:s18] =	ssyncadd.s32 $0xFFFFCF00  }
0x25: {  	[spmem:s10] =	stream.linear.scatter [tilespmem:s17], [sflag:$0x2], $0x3100, $0x38;
	[tilespmem:$0x1BEA0] =	vst v63  }
0x26: {  	_ =	swait.ge [sflag:s18], $0x3100  }
0x27: {  	[sflag:s18] =	ssyncset.done $0x0  }
0x28: {  	[sflag:s18] =	ssyncadd.s32 $0xFFFFCF00  }
0x29: {  	[spmem:s11] =	stream.linear.scatter [tilespmem:s17], [sflag:$0x2], $0x3100, $0x38;
	[tilespmem:$0x1BEA0] =	vst v63  }
0x2a: {  	_ =	swait.ge [sflag:s18], $0x3100  }
0x2b: {  	[sflag:s18] =	ssyncset.done $0x0  }
0x2c: {  	[sflag:s18] =	ssyncadd.s32 $0xFFFFCF00  }
0x2d: {  	[spmem:s12] =	stream.linear.scatter [tilespmem:s17], [sflag:$0x2], $0x3100, $0x38;
	[tilespmem:$0x1BEA0] =	vst v63  }
0x2e: {  	_ =	swait.ge [sflag:s18], $0x3100  }
0x2f: {  	[sflag:s18] =	ssyncset.done $0x0  }
0x30: {  	[sflag:s18] =	ssyncadd.s32 $0xFFFFCF00  }
0x31: {  	[spmem:s13] =	stream.linear.scatter [tilespmem:s17], [sflag:$0x2], $0x3100, $0x38;
	[tilespmem:$0x1BEA0] =	vst v63  }
0x32: {  	_ =	swait.ge [sflag:s18], $0x3100  }
0x33: {  	[sflag:s18] =	ssyncset.done $0x0  }
0x34: {  	[sflag:s18] =	ssyncadd.s32 $0xFFFFCF00  }
0x35: {  	[spmem:s14] =	stream.linear.scatter [tilespmem:s17], [sflag:$0x2], $0x3100, $0x38;
	[tilespmem:$0x1BEA0] =	vst v63  }
0x36: {  	_ =	swait.ge [sflag:s18], $0x3100  }
0x37: {  	[sflag:s18] =	ssyncset.done $0x0  }
0x38: {  	[sflag:s18] =	ssyncadd.s32 $0xFFFFCF00  }
0x39: {  	s26 =	sadd.s32 $0x0, s16;
	[bflag:$0x0] =	sbarrier.arrive $0xFFFF  }
0x3a: {  	[tilespmem:s19], [sflag:$0x2] =	stream.linear.gather [hbm4b:s26+s3], $0x50, $0x38;
	[tilespmem:$0x1BEA0] =	vst v63  }
0x3b: {  	_ =	swait.ge [sflag:s18], $0x50  }
0x3c: {  	[sflag:s18] =	ssyncset.done $0x0  }
0x3d: {  	s31 =	sadd.s32 $0x0, s15;
	[sflag:s18] =	ssyncadd.s32 $0xFFFFFFB0  }
0x3e: {  	[tilespmem:s20], [sflag:$0x2] =	stream.linear.gather [hbm4b:s31+s3], $0x50, $0x38;
	[tilespmem:$0x1BEA0] =	vst v63  }
0x3f: {  	_ =	swait.ge [sflag:s18], $0x50  }
0x40: {  	[sflag:s18] =	ssyncset.done $0x0  }
0x41: {  	[sflag:s18] =	ssyncadd.s32 $0xFFFFFFB0  }
0x42: {  	[tilespmem:s22], [sflag:$0x1] =	stream.indirect.gather [hbm4b:s4+s21], $0x10, s19, s21, $0xb8;
	[tilespmem:$0x1BEA0] =	vst v63  }
0x43: {  	_ =	swait.ge [sflag:s23], $0x500  }
0x44: {  	[sflag:s23] =	ssyncset.done $0x0  }
0x45: {  	[sflag:s23] =	ssyncadd.s32 $0xFFFFFB00  }
0x46: {  	[spmem:s2] =	stream.indirect.scatter.add.f32 [tilespmem:s22], [sflag:$0x2], $0x10, s20, s21, $0xb8;
	[tilespmem:$0x1BEA0] =	vst v63  }
0x47: {  	_ =	swait.ge [sflag:s18], $0x500  }
0x48: {  	s28 =	simm.s32 $0x14;
	s26 =	simm.s32 $0xA;
	[sflag:s18] =	ssyncset.done $0x0  }
.LBB2_4:
0x49: {  	s29 =	sadd.s32 s26, s16  }
0x4a: {  	[sflag:s18] =	ssyncadd.s32 $0xFFFFFB00;
	s30 =	smov.u32 s28;
	s31 =	sadd.s32 $0xA, s28  }
0x4b: {  	[tilespmem:s19], [sflag:$0x2] =	stream.linear.gather [hbm4b:s29+s3], $0x50, $0x38;
	[tilespmem:$0x1BEA0] =	vst v63  }
0x4c: {  	p0 =	sne.s32 s28, $0x1860;
	_ =	swait.ge [sflag:s18], $0x50  }
0x4d: {  	[sflag:s18] =	ssyncset.done $0x0  }
0x4e: {  	s28 =	sadd.s32 s26, s15;
	s26 =	smov.u32 s30;
	[sflag:s18] =	ssyncadd.s32 $0xFFFFFFB0  }
0x4f: {  	[tilespmem:s20], [sflag:$0x2] =	stream.linear.gather [hbm4b:s28+s3], $0x50, $0x38;
	[tilespmem:$0x1BEA0] =	vst v63  }
0x50: {  	_ =	swait.ge [sflag:s18], $0x50  }
0x51: {  	[sflag:s18] =	ssyncset.done $0x0  }
0x52: {  	[sflag:s18] =	ssyncadd.s32 $0xFFFFFFB0  }
0x53: {  	[tilespmem:s22], [sflag:$0x1] =	stream.indirect.gather [hbm4b:s4+s21], $0x10, s19, s21, $0xb8;
	[tilespmem:$0x1BEA0] =	vst v63  }
0x54: {  	_ =	swait.ge [sflag:s23], $0x500  }
.Ltmp1:
0x55: {  	[sflag:s23] =	ssyncset.done $0x0;
	(pc) =	sbr.rel @p0 .LBB2_4-.Ltmp1, $4  }
0x56: {  	[sflag:s23] =	ssyncadd.s32 $0xFFFFFB00  }
0x57: {  	[spmem:s2] =	stream.indirect.scatter.add.f32 [tilespmem:s22], [sflag:$0x2], $0x10, s20, s21, $0xb8;
	[tilespmem:$0x1BEA0] =	vst v63  }
0x58: {  	_ =	swait.ge [sflag:s18], $0x500  }
0x59: {  	s28 =	smov.u32 s31;
	[sflag:s18] =	ssyncset.done $0x0  }
0x5a: {  	s28 =	sadd.s32 s26, s16;
	[sflag:s18] =	ssyncadd.s32 $0xFFFFFB00  }
0x5b: {  	[tilespmem:s19], [sflag:$0x2] =	stream.linear.gather [hbm4b:s28+s3], $0x50, $0x38;
	[tilespmem:$0x1BEA0] =	vst v63  }
0x5c: {  	_ =	swait.ge [sflag:s18], $0x50  }
0x5d: {  	[sflag:s18] =	ssyncset.done $0x0  }
0x5e: {  	s30 =	sadd.s32 s26, s15;
	[sflag:s18] =	ssyncadd.s32 $0xFFFFFFB0  }
0x5f: {  	[tilespmem:s20], [sflag:$0x2] =	stream.linear.gather [hbm4b:s30+s3], $0x50, $0x38;
	[tilespmem:$0x1BEA0] =	vst v63  }
0x60: {  	_ =	swait.ge [sflag:s18], $0x50  }
0x61: {  	[sflag:s18] =	ssyncset.done $0x0  }
0x62: {  	[sflag:s18] =	ssyncadd.s32 $0xFFFFFFB0  }
0x63: {  	[tilespmem:s22], [sflag:$0x1] =	stream.indirect.gather [hbm4b:s4+s21], $0x10, s19, s21, $0xb8;
	[tilespmem:$0x1BEA0] =	vst v63  }
0x64: {  	_ =	swait.ge [sflag:s23], $0x500  }
0x65: {  	[sflag:s23] =	ssyncset.done $0x0  }
0x66: {  	[sflag:s23] =	ssyncadd.s32 $0xFFFFFB00  }
0x67: {  	[spmem:s2] =	stream.indirect.scatter.add.f32 [tilespmem:s22], [sflag:$0x2], $0x10, s20, s21, $0xb8;
	[tilespmem:$0x1BEA0] =	vst v63  }
0x68: {  	_ =	swait.ge [sflag:s18], $0x500  }
0x69: {  	s25 =	sadd.s32 $0x1, s25;
	[sflag:s18] =	ssyncset.done $0x0  }
0x6a: {  	s31 =	sshll.u32 s0, $0x6;
	p0 =	sne.s32 s25, s6;
	[sflag:s18] =	ssyncadd.s32 $0xFFFFFB00  }
.Ltmp2:
0x6b: {  	s26 =	sor.u32 $0x1C02, s31;
	[bflag:$0x0] =	sbarrier.arrive $0xFFFF;
	(pc) =	sbr.rel @p0 .LBB2_1-.Ltmp2, $4  }
0x6c: {  	[hbm:s5], [sflag:s26] =	dma.local [spmem:s24], $0x3100  }
0x6d: {  	_ =	swait.ge [sflag:s18], $0x3100  }
0x6e: {  	[sflag:s18] =	ssyncset.done $0x0  }
0x6f: {  	[sflag:s18] =	ssyncadd.s32 $0xFFFFCF00  }
0x70: {  	_ =	sfence.sel $0x180000  }
0x71: {  	[bflag:$0x0] =	sbarrier.arrive $0xFFFF  }
0x72: {  	p0 =	sne.s32 s0, $0x0;
	_ =	strace $0x9000004A  }
0x73: {  	s0 =	sadd.s32 @!p0 $0x100000, s1;
	[bflag:$0x2] =	sbarrier.arrive $0xFFFF  }
0x74: {  	[sflag:s0] =	ssyncadd.tile.s32 @!p0 $0x1;
	_ =	shalt  }
.Lfunc_end2:
_tile_overlayer_lowered:
.L_overlay_start_2:
0x75: {  	(tag) =	ssettag $0x2  }
0x76: {  	s0 =	rddreg [dreg:$0x0];
	s2 =	stileid.u32  }
0x77: {  	s1 =	rddreg [dreg:$0x1];
	p0 =	sne.s32 s2, $0x0  }
0x78: {  	s3 =	rddreg [dreg:$0x2];
	[bflag:$0x3] =	sbarrier.arrive $0xFFFF;
	s2 =	simm.s32 @!p0 $0x1C02  }
0x79: {  	[timem:s3], [sflag:s2] =	dma.local @!p0 [hbm:s0], s1  }
0x7a: {  	s0 =	simm.s32 @!p0 $0x2  }
0x7b: {  	_ =	swait.ge @!p0 [sflag:s0], s1  }
0x7c: {  	s1 =	ssub.s32 @!p0 $0x0, s1;
	[sflag:s0] =	ssyncset.done @!p0 $0x0  }
0x7d: {  	[sflag:s0] =	ssyncadd.s32 @!p0 s1  }
0x7e: {  	[bflag:$0x3] =	sbarrier.arrive $0xFFFF  }
0x7f: {  	_ =	shalt  }

// kernel: kernel.14.cloned.1.call-start
scs
__scs_entry_jumppad:
0x0: {  	(pc) =	sbr.rel $0x88, $3  }
0x1: {  	(tag) =	ssettag $0x0;
	lr =	simm.s32 $0x1  }
0x2: {  	[smem:$0x3F9B] =	sst lr;
	_ =	strace $0xD0000000  }
0x3: {  	_ = 	snop  }
0x4: {  	_ = 	snop  }
0x5: {  	_ = 	snop  }
0x6: {  	_ = 	snop  }
0x7: {  	_ = 	snop  }
__scs_overlays_trampoline_lowered:
0x8: {  	[smem:$0x3FAA] =	sst s0  }
0x9: {  	[smem:$0x3FAB] =	sst s1  }
0xa: {  	[smem:$0x3FAC] =	sst s2  }
0xb: {  	[smem:$0x3FAD] =	sst s3  }
0xc: {  	[smem:$0x3FAE] =	sst s4  }
0xd: {  	[smem:$0x3FAF] =	sst s5  }
0xe: {  	[smem:$0x3FB0] =	sst s6  }
0xf: {  	[smem:$0x3FB1] =	sst s7  }
0x10: {  	[smem:$0x3FB2] =	sst s8  }
0x11: {  	[smem:$0x3FB3] =	sst s9;
	s0 =	simm.s32 @!p0 $0x0  }
0x12: {  	s1 =	sld [smem:$0x3F99];
	s0 =	simm.s32 @p0 $0x1  }
0x13: {  	[smem:$0x3FB4] =	sst s0;
	s0 =	simm.s32 @!p1 $0x0  }
0x14: {  	s2 =	sld [smem:$0x3F98];
	s0 =	simm.s32 @p1 $0x1  }
0x15: {  	[smem:$0x3FB5] =	sst s0;
	s0 =	simm.s32 @!p2 $0x0  }
0x16: {  	s3 =	sld [smem:$0x3FDB];
	s0 =	simm.s32 @p2 $0x1  }
0x17: {  	s4 =	simm.s32 $0x1BF5;
	[smem:$0x3FB7] =	sst s0  }
0x18: {  	s0 =	sld [smem:$0x3F9A];
	_ =	swait.ge [sflag:s4], $0x0  }
0x19: {  	s7 =	sld [smem:$0x3F9B]  }
0x1a: {  	s8 =	sadd.s32 $0xFFFFE003, lr  }
0x1b: {  	s9 =	sadd.s32 $0xFFFFFEF7, lr;
	s5 =	simm.s32 $0xFFFFFFFF;
	p2 =	slt.u32 s8, $0xFFFFF086  }
0x1c: {  	p1 =	slt.u32 s9, $0xF7A;
	s5 =	simm.s32 @!p2 $0x0  }
0x1d: {  	s5 =	simm.s32 @p1 $0x1;
	p0 =	seq.s32 s7, s2  }
0x1e: {  	s7 =	smul.u32 @!p0 $0xF7A, s2;
	p2 =	seq.s32 @!p0 s5, $0x0  }
0x1f: {  	s9 =	smul.u32 $0xF7A, s1;
	s8 =	simm.s32 @!p0 $0x1BF5;
	p2 =	por !p2, p0  }
0x20: {  	[sflag:s8] =	ssyncset.s32 @!p0 $0xFFFFF086;
	s6 =	sadd.s32 @!p0 s3, s7;
	s7 =	simm.s32 @!p0 $0x108  }
0x21: {  	s3 =	sadd.s32 s3, s9;
	s6 =	sadd.s32 @!p0 $0x88, s6;
	s7 =	simm.s32 @p2 $0x1082  }
0x22: {  	[simem:s7], [sflag:s8] =	dma.local @!p0 [hbm:s6], $0xF7A  }
0x23: {  	s9 =	sor.u32 $0xD0000000, s2;
	s6 =	simm.s32 $0x108;
	_ =	swait.ge @!p0 [sflag:s8], $0x0  }
0x24: {  	s3 =	sadd.s32 $0x88, s3;
	s6 =	simm.s32 @!p1 $0x1082;
	[sflag:s4] =	ssyncset.s32 $0xFFFFF086  }
0x25: {  	[simem:s6], [sflag:s4] =	dma.local [hbm:s3], $0xF7A  }
0x26: {  	[smem:$0x3F9B] =	sst s1;
	(tag) =	ssettag s2;
	_ =	strace s9  }
0x27: {  	s1 =	sld [smem:$0x3FAB]  }
0x28: {  	s2 =	sld [smem:$0x3FAC]  }
0x29: {  	s4 =	sld [smem:$0x3FAE]  }
0x2a: {  	p0 =	seq.s32 s5, $0x0;
	s5 =	sld [smem:$0x3FAF]  }
0x2b: {  	s6 =	sld [smem:$0x3FB0]  }
0x2c: {  	s7 =	sld [smem:$0x3FB1]  }
0x2d: {  	s3 =	simm.s32 $0x108;
	s8 =	sld [smem:$0x3FB2]  }
0x2e: {  	s3 =	simm.s32 @!p0 $0x1082;
	s9 =	sld [smem:$0x3FB3]  }
0x2f: {  	lr =	sadd.s32 s0, s3;
	s0 =	sld [smem:$0x3FAA]  }
0x30: {  	s3 =	sld [smem:$0x3FAD]  }
0x31: {  	[smem:$0x3FB6] =	sst s10  }
0x32: {  	s10 =	sld [smem:$0x3FB4];
	_ =	sdelay $0x3  }
0x33: {  	p0 =	seq.s32 s10, $0x1;
	s10 =	sld [smem:$0x3FB6];
	_ =	sdelay $0x3  }
0x34: {  	[smem:$0x3FB6] =	sst s10  }
0x35: {  	s10 =	sld [smem:$0x3FB5];
	_ =	sdelay $0x3  }
0x36: {  	p1 =	seq.s32 s10, $0x1;
	s10 =	sld [smem:$0x3FB6];
	_ =	sdelay $0x3  }
0x37: {  	[smem:$0x3FB6] =	sst s10  }
0x38: {  	s10 =	sld [smem:$0x3FB7]  }
0x39: {  	_ = 	snop;
	(pc) =	sbr.ind lr, $3  }
0x3a: {  	_ = 	snop  }
0x3b: {  	_ = 	snop  }
0x3c: {  	p2 =	seq.s32 s10, $0x1;
	s10 =	sld [smem:$0x3FB6]  }
0x3d: {  	_ =	shalt  }
0x3e: {  	_ =	shalt  }
0x3f: {  	_ =	shalt  }
0x40: {  	_ =	shalt  }
0x41: {  	_ =	shalt  }
0x42: {  	_ =	shalt  }
0x43: {  	_ =	shalt  }
0x44: {  	_ =	shalt  }
0x45: {  	_ =	shalt  }
0x46: {  	_ =	shalt  }
0x47: {  	_ =	shalt  }
0x48: {  	_ =	shalt  }
0x49: {  	_ =	shalt  }
0x4a: {  	_ =	shalt  }
0x4b: {  	_ =	shalt  }
0x4c: {  	_ =	shalt  }
0x4d: {  	_ =	shalt  }
0x4e: {  	_ =	shalt  }
0x4f: {  	_ =	shalt  }
0x50: {  	_ =	shalt  }
0x51: {  	_ =	shalt  }
0x52: {  	_ =	shalt  }
0x53: {  	_ =	shalt  }
0x54: {  	_ =	shalt  }
0x55: {  	_ =	shalt  }
0x56: {  	_ =	shalt  }
0x57: {  	_ =	shalt  }
0x58: {  	_ =	shalt  }
0x59: {  	_ =	shalt  }
0x5a: {  	_ =	shalt  }
0x5b: {  	_ =	shalt  }
0x5c: {  	_ =	shalt  }
0x5d: {  	_ =	shalt  }
0x5e: {  	_ =	shalt  }
0x5f: {  	_ =	shalt  }
0x60: {  	_ =	shalt  }
0x61: {  	_ =	shalt  }
0x62: {  	_ =	shalt  }
0x63: {  	_ =	shalt  }
0x64: {  	_ =	shalt  }
0x65: {  	_ =	shalt  }
0x66: {  	_ =	shalt  }
0x67: {  	_ =	shalt  }
0x68: {  	_ =	shalt  }
0x69: {  	_ =	shalt  }
0x6a: {  	_ =	shalt  }
0x6b: {  	_ =	shalt  }
0x6c: {  	_ =	shalt  }
0x6d: {  	_ =	shalt  }
0x6e: {  	_ =	shalt  }
0x6f: {  	_ =	shalt  }
0x70: {  	_ =	shalt  }
0x71: {  	_ =	shalt  }
0x72: {  	_ =	shalt  }
0x73: {  	_ =	shalt  }
0x74: {  	_ =	shalt  }
0x75: {  	_ =	shalt  }
0x76: {  	_ =	shalt  }
0x77: {  	_ =	shalt  }
0x78: {  	_ =	shalt  }
0x79: {  	_ =	shalt  }
0x7a: {  	_ =	shalt  }
0x7b: {  	_ =	shalt  }
0x7c: {  	_ =	shalt  }
0x7d: {  	_ =	shalt  }
0x7e: {  	_ =	shalt  }
0x7f: {  	_ =	shalt  }
0x80: {  	_ =	shalt  }
0x81: {  	_ =	shalt  }
0x82: {  	_ =	shalt  }
0x83: {  	_ =	shalt  }
0x84: {  	_ =	shalt  }
0x85: {  	_ =	shalt  }
0x86: {  	_ =	shalt  }
0x87: {  	_ =	shalt  }
.Lfunc_end0:
.L_simem_size_0:
called_computation.2_lowered:
.L_overlay_start_0:
0x88: {  	s2 =	sld [smem:$0x3FD9]  }
0x89: {  	s3 =	sld [smem:$0x3FFE];
	_ =	sdelay $0x1  }
0x8a: {  	s1 =	srdreg.scid  }
0x8b: {  	s0 =	sand.u32 $0x1, s1  }
0x8c: {  	s17 =	sshll.u32 s0, $0xA;
	s2 =	sadd.s32 s3, s2  }
0x8d: {  	s2 =	sadd.s32 s2, s17  }
0x8e: {  	[smem:$0x3FC2] =	sst s2  }
0x8f: {  	_ = 	snop  }
0x90: {  	s2 =	sld [smem:$0x3FD0];
	(tm) =	ssettm $0x1  }
0x91: {  	s18 =	sld [smem:$0x3FFB];
	_ =	sdelay $0x3  }
0x92: {  	_ =	strace s18  }
0x93: {  	s3 =	sld [smem:$0x3FFC];
	_ =	sdelay $0x3  }
0x94: {  	_ =	strace s3  }
0x95: {  	s3 =	sld [smem:$0x3FFD];
	_ =	sdelay $0x3  }
0x96: {  	_ =	strace s3  }
0x97: {  	_ =	strace $0x8FFFFFFF  }
0x98: {  	s19 =	sld [smem:$0x3FDB];
	_ =	sdelay $0x1  }
0x99: {  	s4 =	simm.s32 $_scs_section_size  }
0x9a: {  	s5 =	simm.s32 $_size__tile_overlayer_lowered;
	s6 =	simm.s32 $_tile_overlayer_lowered  }
0x9b: {  	s22 =	simm.s32 $0x1BFF;
	s21 =	sshll.u32 s6, $0x1;
	s3 =	sadd.s32 s4, s19  }
0x9c: {  	s7 =	simm.s32 $0x0;
	s20 =	sshll.u32 s5, $0x1;
	s5 =	sadd.s32 s21, s3  }
0x9d: {  	[timem:s7], [sflag:s22] =	dma.local [hbm:s5], s20  }
0x9e: {  	_ =	swait.ge [sflag:s22], s20  }
0x9f: {  	s4 =	ssub.s32 $0x0, s20;
	[sflag:s22] =	ssyncset.done $0x0  }
0xa0: {  	[sflag:s22] =	ssyncadd.s32 s4;
	_ =	sdelay $0x1  }
0xa1: {  	s23 =	simm.s32 $0x1B8B  }
0xa2: {  	_ =	swait.ge [sflag:s23], $0x1  }
0xa3: {  	[sflag:s23] =	ssyncset.done $0x0  }
0xa4: {  	s25 =	simm.s32 $0x1B8E;
	s24 =	sld [smem:$0x3FFE];
	[sflag:s23] =	ssyncadd.s32 $0xFFFFFFFF  }
0xa5: {  	s26 =	simm.s32 $execute0_lowered;
	[smem:$0x3FD2] =	sst s25  }
0xa6: {  	s5 =	sshll.u32 s26, $0x1;
	_ =	strace $0x8000004C;
	[dreg:$0x1] =	wrdreg $0xFFFFFFFF  }
0xa7: {  	s28 =	simm.s32 $_size_execute0_lowered;
	s3 =	sadd.s32 s3, s5;
	[dreg:$0x0] =	wrdreg $0x0  }
0xa8: {  	s5 =	sshll.u32 s28, $0x1;
	[dreg:$0x2] =	wrdreg s3  }
0xa9: {  	[dreg:$0x3] =	wrdreg s5  }
0xaa: {  	[dreg:$0x4] =	wrdreg $0xC0  }
0xab: {  	_ =	task [dreg:s7], $0x5FFFF  }
0xac: {  	[dreg:$0x1] =	wrdreg $0xFFFFFFFF  }
0xad: {  	[dreg:$0x0] =	wrdreg $0x60  }
0xae: {  	[dreg:$0x2] =	wrdreg s24  }
0xaf: {  	[dreg:$0x3] =	wrdreg s2  }
0xb0: {  	[dreg:$0x4] =	wrdreg $0x0  }
0xb1: {  	[dreg:$0x5] =	wrdreg $0x9  }
0xb2: {  	_ =	task.clear_ibuf [dreg:s7], $0x6FFFF;
	_ =	strace $0x9000004C  }
0xb3: {  	s29 =	simm.s32 $0x9;
	_ =	strace $0x8000004E  }
0xb4: {  	_ =	swait.ge [sflag:s29], $0x1  }
0xb5: {  	[sflag:s29] =	ssyncadd.s32 $0xFFFFFFFF  }
0xb6: {  	_ =	strace $0x9000004E  }
0xb7: {  	_ =	sfence  }
0xb8: {  	s30 =	sld [smem:$0x0];
	_ =	sdelay $0x2  }
0xb9: {  	s31 =	sshll.u32 s1, $0xD;
	s1 =	sshrl.u32 s1, $0x2  }
0xba: {  	s3 =	sand.u32 $0x4000, s31;
	s1 =	sadd.s32 s1, s30  }
0xbb: {  	s0 =	sor.u32 s3, s0;
	s1 =	sshll.u32 s1, $0x11  }
0xbc: {  	s0 =	sor.u32 s1, s0  }
0xbd: {  	s0 =	sadd.s32 $0x8F2B, s0  }
0xbe: {  	[sflag:s0] =	ssyncadd.remote.s32 $0x1  }
0xbf: {  	_ =	sfence.sel $0xFFFF  }
0xc0: {  	[dreg:$0x0] =	wrdreg $0xFFFFFFFF;
	(pc) =	sbr.abs _section_cstart, $3  }
0xc1: {  	[dreg:$0x1] =	wrdreg $0xFFFFFFFF  }
0xc2: {  	_ =	task.clear_ibuf [dreg:s7], $0x2FFFF;
	_ =	strace $0x9FFFFFFF  }
0xc3: {  	(tm) =	ssettm $0x7FFFFFFF  }
tec
execute0_lowered:
.L_overlay_start_1:
0x0: {  	(tag) =	ssettag $0x1  }
0x1: {  	s5 =	rddreg [dreg:$0x0]  }
0x2: {  	s16 =	rddreg [dreg:$0x1]  }
0x3: {  	s2 =	rddreg [dreg:$0x2]  }
0x4: {  	s0 =	srdreg.scid;
	s1 =	rddreg [dreg:$0x3];
	s3 =	simm.s32 $0x0  }
0x5: {  	s18 =	simm.s32 $0x2;
	s19 =	simm.s32 $0x18800;
	s6 =	sand.u32 $0x1, s0  }
0x6: {  	s20 =	simm.s32 $0x18850;
	s0 =	stileid.u32;
	s4 =	smul.u32 $0xC3500, s6  }
0x7: {  	s21 =	simm.s32 $0x50;
	s22 =	simm.s32 $0x188A0;
	s7 =	smul.u32 $0xC350, s0  }
0x8: {  	s23 =	simm.s32 $0x1;
	s25 =	simm.s32 $0x0;
	s8 =	smul.u32 $0x188000, s6  }
0x9: {  	[smem:$0x7FF] =	sst s3;
	s9 =	smul.u32 $0x18800, s0;
	s6 =	ssub.s32 $0x2, s6  }
0xa: {  	_ =	strace $0x8000004D;
	s29 =	smul.u32 $0x62000, s0;
	s30 =	sshrl.u32 s6, $0x1  }
0xb: {  	s7 =	sadd.s32 s7, s4;
	s4 =	sadd.s32 $0x31600, s5;
	s28 =	sadd.s32 s9, s8  }
0xc: {  	s6 =	ssub.s32 s6, s30;
	s31 =	sshrl.u32 s29, $0x2;
	s24 =	sadd.s32 s9, s2  }
0xd: {  	s17 =	sshrl.u32 s7, $0x3;
	s7 =	sshrl.u32 s28, $0x3;
	s6 =	smax.u32 s6, $0x1  }
0xe: {  	s24 =	sshrl.u32 s24, $0x3;
	s15 =	sadd.s32 s17, s5;
	s5 =	sadd.s32 s7, s5  }
0xf: {  	s7 =	sadd.s32 s31, s2;
	s16 =	sadd.s32 s17, s16;
	s17 =	simm.s32 $0x18DA0  }
0x10: {  	s5 =	sadd.s32 $0x62400, s5;
	s8 =	sadd.s32 $0x3100, s7;
	s9 =	sadd.s32 $0x6200, s7  }
0x11: {  	s10 =	sadd.s32 $0x9300, s7;
	s11 =	sadd.s32 $0xC400, s7;
	s12 =	sadd.s32 $0xF500, s7  }
0x12: {  	v0 =	vimm.f32 $0.0e+00;
	s13 =	sadd.s32 $0x12600, s7;
	s14 =	sadd.s32 $0x15700, s7;
	s15 =	sadd.s32 $0x800, s15  }
.LBB2_1:
0x13: {  	s26 =	simm.s32 $0x40;
	s28 =	simm.s32 $0x0  }
.LBB2_2:
0x14: {  	p0 =	sne.s32 s26, $0xC3C0;
	[tilespmem:s28+$0x18DA0] =	vst v0;
	s28 =	smov.u32 s26;
	s26 =	sadd.s32 $0x40, s26  }
.Ltmp0:
0x15: {  	(pc) =	sbr.rel @p0 .LBB2_2-.Ltmp0, $2  }
0x16: {  	_ =	sdelay $0x2  }
0x17: {  	s28 =	sshra.s32 s28, $0x2  }
0x18: {  	[tilespmem:s28+$0x18DA0] =	vst v0  }
0x19: {  	[spmem:s7] =	stream.linear.scatter [tilespmem:s17], [sflag:$0x2], $0x3100, $0x38;
	[tilespmem:$0x1BEA0] =	vst v63  }
0x1a: {  	_ =	swait.ge [sflag:s18], $0x3100  }
0x1b: {  	[sflag:s18] =	ssyncset.done $0x0  }
0x1c: {  	[sflag:s18] =	ssyncadd.s32 $0xFFFFCF00  }
0x1d: {  	[spmem:s8] =	stream.linear.scatter [tilespmem:s17], [sflag:$0x2], $0x3100, $0x38;
	[tilespmem:$0x1BEA0] =	vst v63  }
0x1e: {  	_ =	swait.ge [sflag:s18], $0x3100  }
0x1f: {  	[sflag:s18] =	ssyncset.done $0x0  }
0x20: {  	[sflag:s18] =	ssyncadd.s32 $0xFFFFCF00  }
0x21: {  	[spmem:s9] =	stream.linear.scatter [tilespmem:s17], [sflag:$0x2], $0x3100, $0x38;
	[tilespmem:$0x1BEA0] =	vst v63  }
0x22: {  	_ =	swait.ge [sflag:s18], $0x3100  }
0x23: {  	[sflag:s18] =	ssyncset.done $0x0  }
0x24: {  	[sflag:s18] =	ssyncadd.s32 $0xFFFFCF00  }
0x25: {  	[spmem:s10] =	stream.linear.scatter [tilespmem:s17], [sflag:$0x2], $0x3100, $0x38;
	[tilespmem:$0x1BEA0] =	vst v63  }
0x26: {  	_ =	swait.ge [sflag:s18], $0x3100  }
0x27: {  	[sflag:s18] =	ssyncset.done $0x0  }
0x28: {  	[sflag:s18] =	ssyncadd.s32 $0xFFFFCF00  }
0x29: {  	[spmem:s11] =	stream.linear.scatter [tilespmem:s17], [sflag:$0x2], $0x3100, $0x38;
	[tilespmem:$0x1BEA0] =	vst v63  }
0x2a: {  	_ =	swait.ge [sflag:s18], $0x3100  }
0x2b: {  	[sflag:s18] =	ssyncset.done $0x0  }
0x2c: {  	[sflag:s18] =	ssyncadd.s32 $0xFFFFCF00  }
0x2d: {  	[spmem:s12] =	stream.linear.scatter [tilespmem:s17], [sflag:$0x2], $0x3100, $0x38;
	[tilespmem:$0x1BEA0] =	vst v63  }
0x2e: {  	_ =	swait.ge [sflag:s18], $0x3100  }
0x2f: {  	[sflag:s18] =	ssyncset.done $0x0  }
0x30: {  	[sflag:s18] =	ssyncadd.s32 $0xFFFFCF00  }
0x31: {  	[spmem:s13] =	stream.linear.scatter [tilespmem:s17], [sflag:$0x2], $0x3100, $0x38;
	[tilespmem:$0x1BEA0] =	vst v63  }
0x32: {  	_ =	swait.ge [sflag:s18], $0x3100  }
0x33: {  	[sflag:s18] =	ssyncset.done $0x0  }
0x34: {  	[sflag:s18] =	ssyncadd.s32 $0xFFFFCF00  }
0x35: {  	[spmem:s14] =	stream.linear.scatter [tilespmem:s17], [sflag:$0x2], $0x3100, $0x38;
	[tilespmem:$0x1BEA0] =	vst v63  }
0x36: {  	_ =	swait.ge [sflag:s18], $0x3100  }
0x37: {  	[sflag:s18] =	ssyncset.done $0x0  }
0x38: {  	[sflag:s18] =	ssyncadd.s32 $0xFFFFCF00  }
0x39: {  	s26 =	sadd.s32 $0x0, s16;
	[bflag:$0x0] =	sbarrier.arrive $0xFFFF  }
0x3a: {  	[tilespmem:s19], [sflag:$0x2] =	stream.linear.gather [hbm4b:s26+s3], $0x50, $0x38;
	[tilespmem:$0x1BEA0] =	vst v63  }
0x3b: {  	_ =	swait.ge [sflag:s18], $0x50  }
0x3c: {  	[sflag:s18] =	ssyncset.done $0x0  }
0x3d: {  	s31 =	sadd.s32 $0x0, s15;
	[sflag:s18] =	ssyncadd.s32 $0xFFFFFFB0  }
0x3e: {  	[tilespmem:s20], [sflag:$0x2] =	stream.linear.gather [hbm4b:s31+s3], $0x50, $0x38;
	[tilespmem:$0x1BEA0] =	vst v63  }
0x3f: {  	_ =	swait.ge [sflag:s18], $0x50  }
0x40: {  	[sflag:s18] =	ssyncset.done $0x0  }
0x41: {  	[sflag:s18] =	ssyncadd.s32 $0xFFFFFFB0  }
0x42: {  	[tilespmem:s22], [sflag:$0x1] =	stream.indirect.gather [hbm4b:s4+s21], $0x10, s19, s21, $0xb8;
	[tilespmem:$0x1BEA0] =	vst v63  }
0x43: {  	_ =	swait.ge [sflag:s23], $0x500  }
0x44: {  	[sflag:s23] =	ssyncset.done $0x0  }
0x45: {  	[sflag:s23] =	ssyncadd.s32 $0xFFFFFB00  }
0x46: {  	[spmem:s2] =	stream.indirect.scatter.add.f32 [tilespmem:s22], [sflag:$0x2], $0x10, s20, s21, $0xb8;
	[tilespmem:$0x1BEA0] =	vst v63  }
0x47: {  	_ =	swait.ge [sflag:s18], $0x500  }
0x48: {  	s28 =	simm.s32 $0x14;
	s26 =	simm.s32 $0xA;
	[sflag:s18] =	ssyncset.done $0x0  }
.LBB2_4:
0x49: {  	s29 =	sadd.s32 s26, s16  }
0x4a: {  	[sflag:s18] =	ssyncadd.s32 $0xFFFFFB00;
	s30 =	smov.u32 s28;
	s31 =	sadd.s32 $0xA, s28  }
0x4b: {  	[tilespmem:s19], [sflag:$0x2] =	stream.linear.gather [hbm4b:s29+s3], $0x50, $0x38;
	[tilespmem:$0x1BEA0] =	vst v63  }
0x4c: {  	p0 =	sne.s32 s28, $0x1860;
	_ =	swait.ge [sflag:s18], $0x50  }
0x4d: {  	[sflag:s18] =	ssyncset.done $0x0  }
0x4e: {  	s28 =	sadd.s32 s26, s15;
	s26 =	smov.u32 s30;
	[sflag:s18] =	ssyncadd.s32 $0xFFFFFFB0  }
0x4f: {  	[tilespmem:s20], [sflag:$0x2] =	stream.linear.gather [hbm4b:s28+s3], $0x50, $0x38;
	[tilespmem:$0x1BEA0] =	vst v63  }
0x50: {  	_ =	swait.ge [sflag:s18], $0x50  }
0x51: {  	[sflag:s18] =	ssyncset.done $0x0  }
0x52: {  	[sflag:s18] =	ssyncadd.s32 $0xFFFFFFB0  }
0x53: {  	[tilespmem:s22], [sflag:$0x1] =	stream.indirect.gather [hbm4b:s4+s21], $0x10, s19, s21, $0xb8;
	[tilespmem:$0x1BEA0] =	vst v63  }
0x54: {  	_ =	swait.ge [sflag:s23], $0x500  }
.Ltmp1:
0x55: {  	[sflag:s23] =	ssyncset.done $0x0;
	(pc) =	sbr.rel @p0 .LBB2_4-.Ltmp1, $4  }
0x56: {  	[sflag:s23] =	ssyncadd.s32 $0xFFFFFB00  }
0x57: {  	[spmem:s2] =	stream.indirect.scatter.add.f32 [tilespmem:s22], [sflag:$0x2], $0x10, s20, s21, $0xb8;
	[tilespmem:$0x1BEA0] =	vst v63  }
0x58: {  	_ =	swait.ge [sflag:s18], $0x500  }
0x59: {  	s28 =	smov.u32 s31;
	[sflag:s18] =	ssyncset.done $0x0  }
0x5a: {  	s28 =	sadd.s32 s26, s16;
	[sflag:s18] =	ssyncadd.s32 $0xFFFFFB00  }
0x5b: {  	[tilespmem:s19], [sflag:$0x2] =	stream.linear.gather [hbm4b:s28+s3], $0x50, $0x38;
	[tilespmem:$0x1BEA0] =	vst v63  }
0x5c: {  	_ =	swait.ge [sflag:s18], $0x50  }
0x5d: {  	[sflag:s18] =	ssyncset.done $0x0  }
0x5e: {  	s30 =	sadd.s32 s26, s15;
	[sflag:s18] =	ssyncadd.s32 $0xFFFFFFB0  }
0x5f: {  	[tilespmem:s20], [sflag:$0x2] =	stream.linear.gather [hbm4b:s30+s3], $0x50, $0x38;
	[tilespmem:$0x1BEA0] =	vst v63  }
0x60: {  	_ =	swait.ge [sflag:s18], $0x50  }
0x61: {  	[sflag:s18] =	ssyncset.done $0x0  }
0x62: {  	[sflag:s18] =	ssyncadd.s32 $0xFFFFFFB0  }
0x63: {  	[tilespmem:s22], [sflag:$0x1] =	stream.indirect.gather [hbm4b:s4+s21], $0x10, s19, s21, $0xb8;
	[tilespmem:$0x1BEA0] =	vst v63  }
0x64: {  	_ =	swait.ge [sflag:s23], $0x500  }
0x65: {  	[sflag:s23] =	ssyncset.done $0x0  }
0x66: {  	[sflag:s23] =	ssyncadd.s32 $0xFFFFFB00  }
0x67: {  	[spmem:s2] =	stream.indirect.scatter.add.f32 [tilespmem:s22], [sflag:$0x2], $0x10, s20, s21, $0xb8;
	[tilespmem:$0x1BEA0] =	vst v63  }
0x68: {  	_ =	swait.ge [sflag:s18], $0x500  }
0x69: {  	s25 =	sadd.s32 $0x1, s25;
	[sflag:s18] =	ssyncset.done $0x0  }
0x6a: {  	s31 =	sshll.u32 s0, $0x6;
	p0 =	sne.s32 s25, s6;
	[sflag:s18] =	ssyncadd.s32 $0xFFFFFB00  }
.Ltmp2:
0x6b: {  	s26 =	sor.u32 $0x1C02, s31;
	[bflag:$0x0] =	sbarrier.arrive $0xFFFF;
	(pc) =	sbr.rel @p0 .LBB2_1-.Ltmp2, $4  }
0x6c: {  	[hbm:s5], [sflag:s26] =	dma.local [spmem:s24], $0x3100  }
0x6d: {  	_ =	swait.ge [sflag:s18], $0x3100  }
0x6e: {  	[sflag:s18] =	ssyncset.done $0x0  }
0x6f: {  	[sflag:s18] =	ssyncadd.s32 $0xFFFFCF00  }
0x70: {  	_ =	sfence.sel $0x180000  }
0x71: {  	[bflag:$0x0] =	sbarrier.arrive $0xFFFF  }
0x72: {  	p0 =	sne.s32 s0, $0x0;
	_ =	strace $0x9000004D  }
0x73: {  	s0 =	sadd.s32 @!p0 $0x100000, s1;
	[bflag:$0x2] =	sbarrier.arrive $0xFFFF  }
0x74: {  	[sflag:s0] =	ssyncadd.tile.s32 @!p0 $0x1;
	_ =	shalt  }
.Lfunc_end2:
_tile_overlayer_lowered:
.L_overlay_start_2:
0x75: {  	(tag) =	ssettag $0x2  }
0x76: {  	s0 =	rddreg [dreg:$0x0];
	s2 =	stileid.u32  }
0x77: {  	s1 =	rddreg [dreg:$0x1];
	p0 =	sne.s32 s2, $0x0  }
0x78: {  	s3 =	rddreg [dreg:$0x2];
	[bflag:$0x3] =	sbarrier.arrive $0xFFFF;
	s2 =	simm.s32 @!p0 $0x1C02  }
0x79: {  	[timem:s3], [sflag:s2] =	dma.local @!p0 [hbm:s0], s1  }
0x7a: {  	s0 =	simm.s32 @!p0 $0x2  }
0x7b: {  	_ =	swait.ge @!p0 [sflag:s0], s1  }
0x7c: {  	s1 =	ssub.s32 @!p0 $0x0, s1;
	[sflag:s0] =	ssyncset.done @!p0 $0x0  }
0x7d: {  	[sflag:s0] =	ssyncadd.s32 @!p0 s1  }
0x7e: {  	[bflag:$0x3] =	sbarrier.arrive $0xFFFF  }
0x7f: {  	_ =	shalt  }

// kernel: kernel.8.cloned.1.call-start
scs
__scs_entry_jumppad:
0x0: {  	(pc) =	sbr.rel $0x88, $3  }
0x1: {  	(tag) =	ssettag $0x0;
	lr =	simm.s32 $0x1  }
0x2: {  	[smem:$0x3F9B] =	sst lr;
	_ =	strace $0xD0000000  }
0x3: {  	_ = 	snop  }
0x4: {  	_ = 	snop  }
0x5: {  	_ = 	snop  }
0x6: {  	_ = 	snop  }
0x7: {  	_ = 	snop  }
__scs_overlays_trampoline_lowered:
0x8: {  	[smem:$0x3FAA] =	sst s0  }
0x9: {  	[smem:$0x3FAB] =	sst s1  }
0xa: {  	[smem:$0x3FAC] =	sst s2  }
0xb: {  	[smem:$0x3FAD] =	sst s3  }
0xc: {  	[smem:$0x3FAE] =	sst s4  }
0xd: {  	[smem:$0x3FAF] =	sst s5  }
0xe: {  	[smem:$0x3FB0] =	sst s6  }
0xf: {  	[smem:$0x3FB1] =	sst s7  }
0x10: {  	[smem:$0x3FB2] =	sst s8  }
0x11: {  	[smem:$0x3FB3] =	sst s9;
	s0 =	simm.s32 @!p0 $0x0  }
0x12: {  	s1 =	sld [smem:$0x3F99];
	s0 =	simm.s32 @p0 $0x1  }
0x13: {  	[smem:$0x3FB4] =	sst s0;
	s0 =	simm.s32 @!p1 $0x0  }
0x14: {  	s2 =	sld [smem:$0x3F98];
	s0 =	simm.s32 @p1 $0x1  }
0x15: {  	[smem:$0x3FB5] =	sst s0;
	s0 =	simm.s32 @!p2 $0x0  }
0x16: {  	s3 =	sld [smem:$0x3FDB];
	s0 =	simm.s32 @p2 $0x1  }
0x17: {  	s4 =	simm.s32 $0x1BF5;
	[smem:$0x3FB7] =	sst s0  }
0x18: {  	s0 =	sld [smem:$0x3F9A];
	_ =	swait.ge [sflag:s4], $0x0  }
0x19: {  	s7 =	sld [smem:$0x3F9B]  }
0x1a: {  	s8 =	sadd.s32 $0xFFFFE003, lr  }
0x1b: {  	s9 =	sadd.s32 $0xFFFFFEF7, lr;
	s5 =	simm.s32 $0xFFFFFFFF;
	p2 =	slt.u32 s8, $0xFFFFF086  }
0x1c: {  	p1 =	slt.u32 s9, $0xF7A;
	s5 =	simm.s32 @!p2 $0x0  }
0x1d: {  	s5 =	simm.s32 @p1 $0x1;
	p0 =	seq.s32 s7, s2  }
0x1e: {  	s7 =	smul.u32 @!p0 $0xF7A, s2;
	p2 =	seq.s32 @!p0 s5, $0x0  }
0x1f: {  	s9 =	smul.u32 $0xF7A, s1;
	s8 =	simm.s32 @!p0 $0x1BF5;
	p2 =	por !p2, p0  }
0x20: {  	[sflag:s8] =	ssyncset.s32 @!p0 $0xFFFFF086;
	s6 =	sadd.s32 @!p0 s3, s7;
	s7 =	simm.s32 @!p0 $0x108  }
0x21: {  	s3 =	sadd.s32 s3, s9;
	s6 =	sadd.s32 @!p0 $0x88, s6;
	s7 =	simm.s32 @p2 $0x1082  }
0x22: {  	[simem:s7], [sflag:s8] =	dma.local @!p0 [hbm:s6], $0xF7A  }
0x23: {  	s9 =	sor.u32 $0xD0000000, s2;
	s6 =	simm.s32 $0x108;
	_ =	swait.ge @!p0 [sflag:s8], $0x0  }
0x24: {  	s3 =	sadd.s32 $0x88, s3;
	s6 =	simm.s32 @!p1 $0x1082;
	[sflag:s4] =	ssyncset.s32 $0xFFFFF086  }
0x25: {  	[simem:s6], [sflag:s4] =	dma.local [hbm:s3], $0xF7A  }
0x26: {  	[smem:$0x3F9B] =	sst s1;
	(tag) =	ssettag s2;
	_ =	strace s9  }
0x27: {  	s1 =	sld [smem:$0x3FAB]  }
0x28: {  	s2 =	sld [smem:$0x3FAC]  }
0x29: {  	s4 =	sld [smem:$0x3FAE]  }
0x2a: {  	p0 =	seq.s32 s5, $0x0;
	s5 =	sld [smem:$0x3FAF]  }
0x2b: {  	s6 =	sld [smem:$0x3FB0]  }
0x2c: {  	s7 =	sld [smem:$0x3FB1]  }
0x2d: {  	s3 =	simm.s32 $0x108;
	s8 =	sld [smem:$0x3FB2]  }
0x2e: {  	s3 =	simm.s32 @!p0 $0x1082;
	s9 =	sld [smem:$0x3FB3]  }
0x2f: {  	lr =	sadd.s32 s0, s3;
	s0 =	sld [smem:$0x3FAA]  }
0x30: {  	s3 =	sld [smem:$0x3FAD]  }
0x31: {  	[smem:$0x3FB6] =	sst s10  }
0x32: {  	s10 =	sld [smem:$0x3FB4];
	_ =	sdelay $0x3  }
0x33: {  	p0 =	seq.s32 s10, $0x1;
	s10 =	sld [smem:$0x3FB6];
	_ =	sdelay $0x3  }
0x34: {  	[smem:$0x3FB6] =	sst s10  }
0x35: {  	s10 =	sld [smem:$0x3FB5];
	_ =	sdelay $0x3  }
0x36: {  	p1 =	seq.s32 s10, $0x1;
	s10 =	sld [smem:$0x3FB6];
	_ =	sdelay $0x3  }
0x37: {  	[smem:$0x3FB6] =	sst s10  }
0x38: {  	s10 =	sld [smem:$0x3FB7]  }
0x39: {  	_ = 	snop;
	(pc) =	sbr.ind lr, $3  }
0x3a: {  	_ = 	snop  }
0x3b: {  	_ = 	snop  }
0x3c: {  	p2 =	seq.s32 s10, $0x1;
	s10 =	sld [smem:$0x3FB6]  }
0x3d: {  	_ =	shalt  }
0x3e: {  	_ =	shalt  }
0x3f: {  	_ =	shalt  }
0x40: {  	_ =	shalt  }
0x41: {  	_ =	shalt  }
0x42: {  	_ =	shalt  }
0x43: {  	_ =	shalt  }
0x44: {  	_ =	shalt  }
0x45: {  	_ =	shalt  }
0x46: {  	_ =	shalt  }
0x47: {  	_ =	shalt  }
0x48: {  	_ =	shalt  }
0x49: {  	_ =	shalt  }
0x4a: {  	_ =	shalt  }
0x4b: {  	_ =	shalt  }
0x4c: {  	_ =	shalt  }
0x4d: {  	_ =	shalt  }
0x4e: {  	_ =	shalt  }
0x4f: {  	_ =	shalt  }
0x50: {  	_ =	shalt  }
0x51: {  	_ =	shalt  }
0x52: {  	_ =	shalt  }
0x53: {  	_ =	shalt  }
0x54: {  	_ =	shalt  }
0x55: {  	_ =	shalt  }
0x56: {  	_ =	shalt  }
0x57: {  	_ =	shalt  }
0x58: {  	_ =	shalt  }
0x59: {  	_ =	shalt  }
0x5a: {  	_ =	shalt  }
0x5b: {  	_ =	shalt  }
0x5c: {  	_ =	shalt  }
0x5d: {  	_ =	shalt  }
0x5e: {  	_ =	shalt  }
0x5f: {  	_ =	shalt  }
0x60: {  	_ =	shalt  }
0x61: {  	_ =	shalt  }
0x62: {  	_ =	shalt  }
0x63: {  	_ =	shalt  }
0x64: {  	_ =	shalt  }
0x65: {  	_ =	shalt  }
0x66: {  	_ =	shalt  }
0x67: {  	_ =	shalt  }
0x68: {  	_ =	shalt  }
0x69: {  	_ =	shalt  }
0x6a: {  	_ =	shalt  }
0x6b: {  	_ =	shalt  }
0x6c: {  	_ =	shalt  }
0x6d: {  	_ =	shalt  }
0x6e: {  	_ =	shalt  }
0x6f: {  	_ =	shalt  }
0x70: {  	_ =	shalt  }
0x71: {  	_ =	shalt  }
0x72: {  	_ =	shalt  }
0x73: {  	_ =	shalt  }
0x74: {  	_ =	shalt  }
0x75: {  	_ =	shalt  }
0x76: {  	_ =	shalt  }
0x77: {  	_ =	shalt  }
0x78: {  	_ =	shalt  }
0x79: {  	_ =	shalt  }
0x7a: {  	_ =	shalt  }
0x7b: {  	_ =	shalt  }
0x7c: {  	_ =	shalt  }
0x7d: {  	_ =	shalt  }
0x7e: {  	_ =	shalt  }
0x7f: {  	_ =	shalt  }
0x80: {  	_ =	shalt  }
0x81: {  	_ =	shalt  }
0x82: {  	_ =	shalt  }
0x83: {  	_ =	shalt  }
0x84: {  	_ =	shalt  }
0x85: {  	_ =	shalt  }
0x86: {  	_ =	shalt  }
0x87: {  	_ =	shalt  }
.Lfunc_end0:
.L_simem_size_0:
called_computation_lowered:
.L_overlay_start_0:
0x88: {  	s2 =	sld [smem:$0x3FD9]  }
0x89: {  	s3 =	sld [smem:$0x3FFE];
	_ =	sdelay $0x1  }
0x8a: {  	s1 =	srdreg.scid  }
0x8b: {  	s0 =	sand.u32 $0x1, s1  }
0x8c: {  	s16 =	sshll.u32 s0, $0xA;
	s2 =	sadd.s32 s3, s2  }
0x8d: {  	s2 =	sadd.s32 s2, s16  }
0x8e: {  	[smem:$0x3FC2] =	sst s2  }
0x8f: {  	_ = 	snop  }
0x90: {  	(tm) =	ssettm $0x1  }
0x91: {  	s17 =	sld [smem:$0x3FFB];
	_ =	sdelay $0x3  }
0x92: {  	_ =	strace s17  }
0x93: {  	s2 =	sld [smem:$0x3FFC];
	_ =	sdelay $0x3  }
0x94: {  	_ =	strace s2  }
0x95: {  	s2 =	sld [smem:$0x3FFD];
	_ =	sdelay $0x3  }
0x96: {  	_ =	strace s2  }
0x97: {  	_ =	strace $0x8FFFFFFF  }
0x98: {  	s18 =	sld [smem:$0x3FDB];
	_ =	sdelay $0x1  }
0x99: {  	s19 =	simm.s32 $_scs_section_size  }
0x9a: {  	s4 =	simm.s32 $_size__tile_overlayer_lowered;
	s5 =	simm.s32 $_tile_overlayer_lowered  }
0x9b: {  	s22 =	simm.s32 $0x1BFF;
	s21 =	sshll.u32 s5, $0x1;
	s2 =	sadd.s32 s19, s18  }
0x9c: {  	s6 =	simm.s32 $0x0;
	s20 =	sshll.u32 s4, $0x1;
	s4 =	sadd.s32 s21, s2  }
0x9d: {  	[timem:s6], [sflag:s22] =	dma.local [hbm:s4], s20  }
0x9e: {  	_ =	swait.ge [sflag:s22], s20  }
0x9f: {  	s3 =	ssub.s32 $0x0, s20;
	[sflag:s22] =	ssyncset.done $0x0  }
0xa0: {  	[sflag:s22] =	ssyncadd.s32 s3;
	_ =	sdelay $0x1  }
0xa1: {  	s23 =	simm.s32 $0x1B8B  }
0xa2: {  	_ =	swait.ge [sflag:s23], $0x1  }
0xa3: {  	[sflag:s23] =	ssyncset.done $0x0  }
0xa4: {  	s25 =	simm.s32 $0x1B8E;
	s24 =	sld [smem:$0x3FFE];
	[sflag:s23] =	ssyncadd.s32 $0xFFFFFFFF  }
0xa5: {  	s26 =	simm.s32 $execute0_lowered;
	[smem:$0x3FD2] =	sst s25  }
0xa6: {  	s4 =	sshll.u32 s26, $0x1;
	_ =	strace $0x80000046;
	[dreg:$0x1] =	wrdreg $0xFFFFFFFF  }
0xa7: {  	s28 =	simm.s32 $_size_execute0_lowered;
	s2 =	sadd.s32 s2, s4;
	[dreg:$0x0] =	wrdreg $0x0  }
0xa8: {  	s4 =	sshll.u32 s28, $0x1;
	[dreg:$0x2] =	wrdreg s2  }
0xa9: {  	[dreg:$0x3] =	wrdreg s4  }
0xaa: {  	[dreg:$0x4] =	wrdreg $0xC0  }
0xab: {  	_ =	task [dreg:s6], $0x5FFFF  }
0xac: {  	[dreg:$0x1] =	wrdreg $0xFFFFFFFF  }
0xad: {  	[dreg:$0x0] =	wrdreg $0x60  }
0xae: {  	[dreg:$0x2] =	wrdreg s24  }
0xaf: {  	[dreg:$0x3] =	wrdreg $0x0  }
0xb0: {  	[dreg:$0x4] =	wrdreg $0x9  }
0xb1: {  	_ =	task.clear_ibuf [dreg:s6], $0x5FFFF;
	_ =	strace $0x90000046  }
0xb2: {  	s29 =	simm.s32 $0x9;
	_ =	strace $0x80000048  }
0xb3: {  	_ =	swait.ge [sflag:s29], $0x1  }
0xb4: {  	[sflag:s29] =	ssyncadd.s32 $0xFFFFFFFF  }
0xb5: {  	_ =	strace $0x90000048  }
0xb6: {  	_ =	sfence  }
0xb7: {  	s30 =	sld [smem:$0x0];
	_ =	sdelay $0x2  }
0xb8: {  	s31 =	sshll.u32 s1, $0xD;
	s1 =	sshrl.u32 s1, $0x2  }
0xb9: {  	s3 =	sand.u32 $0x4000, s31;
	s1 =	sadd.s32 s1, s30  }
0xba: {  	s0 =	sor.u32 s3, s0;
	s1 =	sshll.u32 s1, $0x11  }
0xbb: {  	s0 =	sor.u32 s1, s0  }
0xbc: {  	s0 =	sadd.s32 $0x8F2B, s0  }
0xbd: {  	[sflag:s0] =	ssyncadd.remote.s32 $0x1  }
0xbe: {  	_ =	sfence.sel $0xFFFF  }
0xbf: {  	[dreg:$0x0] =	wrdreg $0xFFFFFFFF;
	(pc) =	sbr.abs _section_cstart, $3  }
0xc0: {  	[dreg:$0x1] =	wrdreg $0xFFFFFFFF  }
0xc1: {  	_ =	task.clear_ibuf [dreg:s6], $0x2FFFF;
	_ =	strace $0x9FFFFFFF  }
0xc2: {  	(tm) =	ssettm $0x7FFFFFFF  }
0xc3: {  	_ =	shalt  }
tec
execute0_lowered:
.L_overlay_start_1:
0x0: {  	(tag) =	ssettag $0x1  }
0x1: {  	s4 =	rddreg [dreg:$0x0]  }
0x2: {  	s0 =	srdreg.scid;
	s2 =	rddreg [dreg:$0x1]  }
0x3: {  	s1 =	rddreg [dreg:$0x2];
	s3 =	simm.s32 $0x0;
	s10 =	simm.s32 $0x1880  }
0x4: {  	s11 =	simm.s32 $0x50;
	s12 =	simm.s32 $0x1900;
	s5 =	sand.u32 $0x1, s0  }
0x5: {  	s15 =	simm.s32 $0x20;
	s0 =	stileid.u32;
	s6 =	smul.u32 $0xC3500, s5  }
0x6: {  	s16 =	simm.s32 $0x10;
	s17 =	simm.s32 $0x0;
	s7 =	smul.u32 $0xC350, s0  }
0x7: {  	[smem:$0x7FF] =	sst s3;
	s26 =	smul.u32 $0x3100, s0;
	s8 =	sshll.u32 s5, $0x7  }
0x8: {  	s5 =	ssub.s32 $0x2, s5;
	s28 =	smul.u32 $0x6200, s0;
	s13 =	sshll.u32 s0, $0x6  }
0x9: {  	_ =	strace $0x80000047;
	s30 =	sshrl.u32 s5, $0x1;
	s13 =	sor.u32 $0x1C01, s13  }
0xa: {  	s6 =	sadd.s32 s7, s6;
	s7 =	sor.u32 s8, s26;
	s31 =	sshrl.u32 s28, $0x2  }
0xb: {  	s8 =	simm.s32 $0x1980;
	s6 =	sshrl.u32 s6, $0x3;
	s29 =	sshrl.u32 s7, $0x3  }
0xc: {  	s7 =	ssub.s32 s5, s30;
	s9 =	sadd.s32 s6, s4;
	s6 =	sadd.s32 s29, s4  }
0xd: {  	s4 =	sadd.s32 s31, s2;
	s5 =	sadd.s32 $0x31600, s6;
	s6 =	smax.u32 s7, $0x1  }
0xe: {  	v0 =	vimm.f32 $0.0e+00;
	v1 =	vimm.f32 $1.000000000e+00;
	s7 =	sadd.s32 $0x800, s9;
	s9 =	simm.s32 $0x1;
	s14 =	sshrl.u32 s4, $0x3  }
.LBB2_1:
0xf: {  	s18 =	simm.s32 $0x40;
	s19 =	simm.s32 $0x0  }
.LBB2_2:
0x10: {  	p0 =	sne.s32 s18, $0x61C0;
	[tilespmem:s19+$0x1980] =	vst v0;
	s19 =	smov.u32 s18;
	s18 =	sadd.s32 $0x40, s18  }
.Ltmp0:
0x11: {  	(pc) =	sbr.rel @p0 .LBB2_2-.Ltmp0, $2  }
0x12: {  	_ =	sdelay $0x2  }
0x13: {  	s19 =	sshra.s32 s19, $0x2  }
0x14: {  	[tilespmem:s19+$0x1980] =	vst v0  }
0x15: {  	[tilespmem:$0x1900] =	vst v1  }
0x16: {  	[tilespmem:$0x1910] =	vst v1  }
0x17: {  	[tilespmem:$0x1920] =	vst v1  }
0x18: {  	[tilespmem:$0x1930] =	vst v1  }
0x19: {  	[tilespmem:$0x1940] =	vst v1  }
0x1a: {  	[spmem:s4] =	stream.linear.scatter [tilespmem:s8], [sflag:$0x1], $0x1880, $0x38;
	[tilespmem:$0x3200] =	vst v63  }
0x1b: {  	_ =	swait.ge [sflag:s9], $0x1880  }
0x1c: {  	[sflag:s9] =	ssyncset.done $0x0  }
0x1d: {  	[sflag:s9] =	ssyncadd.s32 $0xFFFFE780  }
0x1e: {  	s18 =	sadd.s32 $0x0, s7;
	[bflag:$0x0] =	sbarrier.arrive $0xFFFF  }
0x1f: {  	[tilespmem:s10], [sflag:$0x1] =	stream.linear.gather [hbm4b:s18+s3], $0x50, $0x38;
	[tilespmem:$0x3200] =	vst v63  }
0x20: {  	_ =	swait.ge [sflag:s9], $0x50  }
0x21: {  	[sflag:s9] =	ssyncset.done $0x0  }
0x22: {  	[sflag:s9] =	ssyncadd.s32 $0xFFFFFFB0  }
0x23: {  	[spmem:s2] =	stream.indirect.scatter.add.f32 [tilespmem:s12], [sflag:$0x1], $0x1, s10, s11, $0xb8;
	[tilespmem:$0x3200] =	vst v63  }
0x24: {  	_ =	swait.ge [sflag:s9], $0x50  }
0x25: {  	s19 =	simm.s32 $0x14;
	s18 =	simm.s32 $0xA;
	[sflag:s9] =	ssyncset.done $0x0  }
.LBB2_4:
0x26: {  	s20 =	sadd.s32 s18, s7  }
0x27: {  	[sflag:s9] =	ssyncadd.s32 $0xFFFFFFB0;
	s18 =	smov.u32 s19;
	s21 =	sadd.s32 $0xA, s19  }
0x28: {  	[tilespmem:s10], [sflag:$0x1] =	stream.linear.gather [hbm4b:s20+s3], $0x50, $0x38;
	[tilespmem:$0x3200] =	vst v63  }
0x29: {  	p0 =	sne.s32 s19, $0x1860;
	_ =	swait.ge [sflag:s9], $0x50  }
.Ltmp1:
0x2a: {  	[sflag:s9] =	ssyncset.done $0x0;
	(pc) =	sbr.rel @p0 .LBB2_4-.Ltmp1, $4  }
0x2b: {  	[sflag:s9] =	ssyncadd.s32 $0xFFFFFFB0  }
0x2c: {  	[spmem:s2] =	stream.indirect.scatter.add.f32 [tilespmem:s12], [sflag:$0x1], $0x1, s10, s11, $0xb8;
	[tilespmem:$0x3200] =	vst v63  }
0x2d: {  	_ =	swait.ge [sflag:s9], $0x50  }
0x2e: {  	s19 =	smov.u32 s21;
	[sflag:s9] =	ssyncset.done $0x0  }
0x2f: {  	s18 =	sadd.s32 s18, s7;
	[sflag:s9] =	ssyncadd.s32 $0xFFFFFFB0  }
0x30: {  	[tilespmem:s10], [sflag:$0x1] =	stream.linear.gather [hbm4b:s18+s3], $0x50, $0x38;
	[tilespmem:$0x3200] =	vst v63  }
0x31: {  	_ =	swait.ge [sflag:s9], $0x50  }
0x32: {  	[sflag:s9] =	ssyncset.done $0x0  }
0x33: {  	[sflag:s9] =	ssyncadd.s32 $0xFFFFFFB0  }
0x34: {  	[spmem:s2] =	stream.indirect.scatter.add.f32 [tilespmem:s12], [sflag:$0x1], $0x1, s10, s11, $0xb8;
	[tilespmem:$0x3200] =	vst v63  }
0x35: {  	_ =	swait.ge [sflag:s9], $0x50  }
0x36: {  	s17 =	sadd.s32 $0x1, s17;
	[sflag:s9] =	ssyncset.done $0x0  }
0x37: {  	p0 =	sne.s32 s17, s6;
	[sflag:s9] =	ssyncadd.s32 $0xFFFFFFB0  }
.Ltmp2:
0x38: {  	[bflag:$0x0] =	sbarrier.arrive $0xFFFF;
	(pc) =	sbr.rel @p0 .LBB2_1-.Ltmp2, $4  }
0x39: {  	[hbm:s5@s15], [sflag:s13] =	dma.strided [spmem:s14@s16], $0x310, s9, $0x10   }
0x3a: {  	_ =	swait.ge [sflag:s9], $0x310  }
0x3b: {  	[sflag:s9] =	ssyncset.done $0x0  }
0x3c: {  	[sflag:s9] =	ssyncadd.s32 $0xFFFFFCF0  }
0x3d: {  	_ =	sfence.sel $0x180000  }
0x3e: {  	[bflag:$0x0] =	sbarrier.arrive $0xFFFF  }
0x3f: {  	p0 =	sne.s32 s0, $0x0;
	_ =	strace $0x90000047  }
0x40: {  	s0 =	sadd.s32 @!p0 $0x100000, s1;
	[bflag:$0x2] =	sbarrier.arrive $0xFFFF  }
0x41: {  	[sflag:s0] =	ssyncadd.tile.s32 @!p0 $0x1;
	_ =	shalt  }
.Lfunc_end2:
_tile_overlayer_lowered:
.L_overlay_start_2:
0x42: {  	(tag) =	ssettag $0x2  }
0x43: {  	s0 =	rddreg [dreg:$0x0];
	s2 =	stileid.u32  }
0x44: {  	s1 =	rddreg [dreg:$0x1];
	p0 =	sne.s32 s2, $0x0  }
0x45: {  	s3 =	rddreg [dreg:$0x2];
	[bflag:$0x3] =	sbarrier.arrive $0xFFFF;
	s2 =	simm.s32 @!p0 $0x1C01  }
0x46: {  	[timem:s3], [sflag:s2] =	dma.local @!p0 [hbm:s0], s1  }
0x47: {  	s0 =	simm.s32 @!p0 $0x1  }
0x48: {  	_ =	swait.ge @!p0 [sflag:s0], s1  }
0x49: {  	s1 =	ssub.s32 @!p0 $0x0, s1;
	[sflag:s0] =	ssyncset.done @!p0 $0x0  }
0x4a: {  	[sflag:s0] =	ssyncadd.s32 @!p0 s1  }
0x4b: {  	[bflag:$0x3] =	sbarrier.arrive $0xFFFF  }
0x4c: {  	_ =	shalt  }

</sc_bundles>
